<compile_context>
chip_gen: v7x
topology: tpu7x:2x2x1
jax: 0.10.2.dev20260603
libtpu: 0.0.44.dev20260713+nightly
codegen_flags: <defaults>
</compile_context>

<pallas_src>
import functools

import jax
import jax.numpy as jnp
from jax import lax
from jax.experimental import pallas as pl
from jax.experimental.pallas import tpu as pltpu
from jax.experimental.pallas import tpu_sc as plsc

N_NODES = 10000
N_EDGES = 10000
N_INC = 320000
CH = 128

NC = 2
NS = 16
NW = NC * NS
LANES = 16

INC_PER_W = N_INC // NW
CHUNK = 80
N_CHUNKS = INC_PER_W // CHUNK
ACC_N = 10240
ROWS_PER_TILE = ACC_N // NS
ZB_ROWS = 128

_mesh = plsc.VectorSubcoreMesh(core_axis_name="c", subcore_axis_name="s")
_sc_params = pltpu.CompilerParams(needs_layout_passes=False)



@functools.partial(
    pl.kernel,
    mesh=_mesh,
    out_type=[
        jax.ShapeDtypeStruct((NW, 1, N_NODES), jnp.float32),
        jax.ShapeDtypeStruct((NW, 1, N_EDGES), jnp.float32),
    ],
    scratch_types=[
        pltpu.VMEM((INC_PER_W,), jnp.int32),
        pltpu.VMEM((N_NODES,), jnp.float32),
    ],
    compiler_params=_sc_params,
)
def _hist(nidx_hbm, hidx_hbm, dn_out, de_out, idx_v, cnt_v):
    wid = lax.axis_index("s") * NC + lax.axis_index("c")
    ones = jnp.ones((LANES,), jnp.float32)
    zeros = jnp.zeros((LANES,), jnp.float32)

    for src, out in ((nidx_hbm, dn_out), (hidx_hbm, de_out)):
        @pl.loop(0, N_NODES, step=LANES)
        def _zero(i):
            cnt_v[pl.ds(i, LANES)] = zeros

        pltpu.sync_copy(src.at[wid, 0], idx_v)

        @pl.loop(0, INC_PER_W, step=LANES)
        def _accum(i):
            idx = idx_v[pl.ds(i, LANES)]
            plsc.addupdate_scatter(cnt_v, [idx], ones)

        pltpu.sync_copy(cnt_v, out.at[wid, 0])



@functools.partial(
    pl.kernel,
    mesh=_mesh,
    out_type=jax.ShapeDtypeStruct((NC, ACC_N, CH), jnp.float32),
    scratch_types=[
        pltpu.VMEM((1, CHUNK), jnp.int32),
        pltpu.VMEM((1, CHUNK), jnp.int32),
        pltpu.VMEM((1, CHUNK), jnp.int32),
        pltpu.VMEM((1, CHUNK), jnp.int32),
        pltpu.VMEM((CHUNK, CH), jnp.float32),
        pltpu.VMEM((CHUNK, CH), jnp.float32),
        pltpu.VMEM((ZB_ROWS, CH), jnp.float32),
        pltpu.VMEM_SHARED((ACC_N, CH), jnp.float32),
        pltpu.SemaphoreType.DMA,
        pltpu.SemaphoreType.DMA,
        pltpu.SemaphoreType.DMA,
        pltpu.SemaphoreType.DMA,
    ],
    compiler_params=_sc_params,
)
def _segpass(table_hbm, gidx_hbm, sidx_hbm, out_hbm,
             gi0, si0, gi1, si1, rows0_v, rows1_v, zb_v, acc_sh,
             sem0, sem1, semi0, semi1):
    c = lax.axis_index("c")
    s = lax.axis_index("s")
    wid = s * NC + c
    base = wid * N_CHUNKS
    zeros = jnp.zeros((LANES,), jnp.float32)

    @pl.loop(0, ZB_ROWS)
    def _zrow(i):
        @pl.loop(0, CH, step=LANES)
        def _zcol(j):
            zb_v[i, pl.ds(j, LANES)] = zeros

    @pl.loop(0, ROWS_PER_TILE // ZB_ROWS)
    def _zcp(k):
        pltpu.sync_copy(zb_v, acc_sh.at[pl.ds(s * ROWS_PER_TILE + k * ZB_ROWS,
                                              ZB_ROWS)])

    pltpu.async_copy(gidx_hbm.at[base, 0], gi0.at[0], semi0)
    pltpu.async_copy(sidx_hbm.at[base, 0], si0.at[0], semi0)
    pltpu.async_copy(gidx_hbm.at[base + 1, 0], gi1.at[0], semi1)
    pltpu.async_copy(sidx_hbm.at[base + 1, 0], si1.at[0], semi1)

    plsc.subcore_barrier()

    pltpu.make_async_copy(gidx_hbm.at[base, 0], gi0.at[0], semi0).wait()
    pltpu.make_async_copy(sidx_hbm.at[base, 0], si0.at[0], semi0).wait()
    pltpu.async_copy(table_hbm.at[gi0.at[0]], rows0_v, sem0)

    @pl.loop(0, N_CHUNKS, step=2)
    def _chunk(ci):
        pltpu.make_async_copy(table_hbm.at[gi0.at[0]], rows0_v, sem0).wait()

        @pl.when(ci + 1 < N_CHUNKS)
        def _g1():
            pltpu.make_async_copy(gidx_hbm.at[base, 0], gi1.at[0],
                                  semi1).wait()
            pltpu.make_async_copy(sidx_hbm.at[base, 0], si1.at[0],
                                  semi1).wait()
            pltpu.async_copy(table_hbm.at[gi1.at[0]], rows1_v, sem1)

        pltpu.sync_copy(rows0_v, acc_sh.at[si0.at[0]], add=True)

        @pl.when(ci + 2 < N_CHUNKS)
        def _pf0():
            pltpu.async_copy(gidx_hbm.at[base + ci + 2, 0], gi0.at[0], semi0)
            pltpu.async_copy(sidx_hbm.at[base + ci + 2, 0], si0.at[0], semi0)

        @pl.when(ci + 1 < N_CHUNKS)
        def _odd():
            pltpu.make_async_copy(table_hbm.at[gi1.at[0]], rows1_v,
                                  sem1).wait()

            @pl.when(ci + 2 < N_CHUNKS)
            def _g2():
                pltpu.make_async_copy(gidx_hbm.at[base, 0], gi0.at[0],
                                      semi0).wait()
                pltpu.make_async_copy(sidx_hbm.at[base, 0], si0.at[0],
                                      semi0).wait()
                pltpu.async_copy(table_hbm.at[gi0.at[0]], rows0_v, sem0)

            pltpu.sync_copy(rows1_v, acc_sh.at[si1.at[0]], add=True)

            @pl.when(ci + 3 < N_CHUNKS)
            def _pf1():
                pltpu.async_copy(gidx_hbm.at[base + ci + 3, 0], gi1.at[0],
                                 semi1)
                pltpu.async_copy(sidx_hbm.at[base + ci + 3, 0], si1.at[0],
                                 semi1)

    plsc.subcore_barrier()

    pltpu.sync_copy(acc_sh.at[pl.ds(s * ROWS_PER_TILE, ROWS_PER_TILE)],
                    out_hbm.at[c, pl.ds(s * ROWS_PER_TILE, ROWS_PER_TILE)])



_BM = 1000


def _scales_body(dnp_ref, dep_ref, dns_ref, dei_ref):
    dn = jnp.sum(dnp_ref[...].T, axis=1, keepdims=True)
    dns_ref[...] = jnp.where(dn > 0, lax.rsqrt(jnp.maximum(dn, 1e-12)), 0.0)
    de = jnp.sum(dep_ref[...].T, axis=1, keepdims=True)
    dei_ref[...] = jnp.where(de > 0, 1.0 / jnp.maximum(de, 1e-12), 0.0)


def _scales(dn_p, de_p):
    return pl.pallas_call(
        _scales_body,
        out_shape=[jax.ShapeDtypeStruct((N_NODES, 1), jnp.float32),
                   jax.ShapeDtypeStruct((N_EDGES, 1), jnp.float32)],
    )(dn_p, de_p)


def _proj_body(x_ref, wt_ref, b_ref, dns_ref, h_ref):
    xw = jnp.dot(x_ref[...], wt_ref[...],
                 preferred_element_type=jnp.float32) + b_ref[...]
    h_ref[...] = xw * dns_ref[...]


def _proj(x, wt, b2, dn_s):
    return pl.pallas_call(
        _proj_body,
        grid=(N_NODES // _BM,),
        in_specs=[
            pl.BlockSpec((_BM, CH), lambda i: (i, 0)),
            pl.BlockSpec((CH, CH), lambda i: (0, 0)),
            pl.BlockSpec((1, CH), lambda i: (0, 0)),
            pl.BlockSpec((_BM, 1), lambda i: (i, 0)),
        ],
        out_specs=pl.BlockSpec((_BM, CH), lambda i: (i, 0)),
        out_shape=jax.ShapeDtypeStruct((N_NODES, CH), jnp.float32),
    )(x, wt, b2, dn_s)


def _combine_body(relu, p_ref, s_ref, o_ref):
    tot = (p_ref[0] + p_ref[1]) * s_ref[...]
    o_ref[...] = jnp.maximum(tot, 0.0) if relu else tot


def _combine(p, s, relu):
    return pl.pallas_call(
        functools.partial(_combine_body, relu),
        grid=(N_NODES // _BM,),
        in_specs=[
            pl.BlockSpec((NC, _BM, CH), lambda i: (0, i, 0)),
            pl.BlockSpec((_BM, 1), lambda i: (i, 0)),
        ],
        out_specs=pl.BlockSpec((_BM, CH), lambda i: (i, 0)),
        out_shape=jax.ShapeDtypeStruct((N_NODES, CH), jnp.float32),
    )(p, s)



def kernel(x, hyperedge_index, W, b):
    nidx = hyperedge_index[0]
    hidx = hyperedge_index[1]
    nidx_c = nidx.reshape(NW * N_CHUNKS, 1, CHUNK)
    hidx_c = hidx.reshape(NW * N_CHUNKS, 1, CHUNK)
    nidx_w = nidx.reshape(NW, 1, INC_PER_W)
    hidx_w = hidx.reshape(NW, 1, INC_PER_W)
    wt = W.T
    b2 = b.reshape(1, CH)

    dn_p, de_p = _hist(nidx_w, hidx_w)
    dn_s, de_i = _scales(dn_p.reshape(NW, N_NODES), de_p.reshape(NW, N_EDGES))
    h = _proj(x, wt, b2, dn_s)
    e_p = _segpass(h, nidx_c, hidx_c)
    e = _combine(e_p, de_i, relu=False)
    y_p = _segpass(e, hidx_c, nidx_c)
    y = _combine(y_p, dn_s, relu=True)
    return y

# --- scband reference (transcript-rebuilt; emitter-appended) ---
"""Pipeline reference for scband-hgnnconv-37254546325795 (READ-ONLY COPY).

The authoritative reference and input builder live on the scoring server;
editing this copy changes nothing except your own understanding.
"""

import jax, jax.numpy as jnp
import numpy as np

NUM_NODES = 10000
NUM_HYPEREDGES = 10000
NUM_INCIDENCES = 320000
IN_CH = 128
OUT_CH = 128


def setup_inputs(seed: int = 0) -> dict:
    key = jax.random.key(seed)
    k1, k2, k3, k4 = jax.random.split(key, 4)
    x = jax.random.normal(k1, (NUM_NODES, IN_CH), dtype=jnp.float32)
    hyperedge_index = jax.random.randint(k2, (2, NUM_INCIDENCES), 0, NUM_HYPEREDGES, dtype=jnp.int32)
    # theta: nn.Linear(in_channels, out_channels, bias=True)
    W = jax.random.normal(k3, (OUT_CH, IN_CH), dtype=jnp.float32) * (1.0 / np.sqrt(IN_CH))
    b = jax.random.normal(k4, (OUT_CH,), dtype=jnp.float32) * 0.01
    return {"x": x, "hyperedge_index": hyperedge_index, "W": W, "b": b}


def reference(x, hyperedge_index, W, b):
    # X' = relu( D_n^{-1/2} H D_e^{-1} H^T D_n^{-1/2} (X Theta) )
    node_idx = hyperedge_index[0]
    he_idx = hyperedge_index[1]
    xw = x @ W.T + b
    ones = jnp.ones((node_idx.shape[0],), dtype=xw.dtype)
    dn = jax.ops.segment_sum(ones, node_idx, num_segments=NUM_NODES)
    de = jax.ops.segment_sum(ones, he_idx, num_segments=NUM_HYPEREDGES)
    dn_inv_sqrt = jnp.where(dn > 0, 1.0 / jnp.sqrt(jnp.maximum(dn, 1e-12)), 0.0)
    de_inv = jnp.where(de > 0, 1.0 / jnp.maximum(de, 1e-12), 0.0)
    # D_n^{-1/2} X Theta
    h = xw * dn_inv_sqrt[:, None]
    # H^T (.)  : gather from nodes, scatter-add into hyperedges
    e = jax.ops.segment_sum(jnp.take(h, node_idx, axis=0), he_idx, num_segments=NUM_HYPEREDGES)
    # D_e^{-1} (.)
    e = e * de_inv[:, None]
    # H (.)  : gather from hyperedges, scatter-add into nodes
    y = jax.ops.segment_sum(jnp.take(e, he_idx, axis=0), node_idx, num_segments=NUM_NODES)
    # D_n^{-1/2} (.)
    y = y * dn_inv_sqrt[:, None]
    # is_last=False -> ReLU; batch norm disabled; drop_rate=0.0 -> identity
    y = jax.nn.relu(y)
    return y

if __name__ == "__main__":
    import jax
    _d = setup_inputs()
    print(jax.jit(kernel)(*tuple(_d.values())))

</pallas_src>

<mosaic_0001>
#map = affine_map<(d0, d1) -> (0, 0)>
#map1 = affine_map<(d0, d1) -> (0, 0, 0)>
module attributes {stable_mosaic.version = 14 : i64} {
  func.func @_segpass(%arg0: i32, %arg1: i32, %arg2: memref<10000x128xf32, #tpu.memory_space<hbm>>, %arg3: memref<4000x1x80xi32, #tpu.memory_space<hbm>>, %arg4: memref<4000x1x80xi32, #tpu.memory_space<hbm>>, %arg5: memref<2x10240x128xf32, #tpu.memory_space<hbm>>, %arg6: memref<1x80xi32, #tpu.memory_space<vmem>>, %arg7: memref<1x80xi32, #tpu.memory_space<vmem>>, %arg8: memref<1x80xi32, #tpu.memory_space<vmem>>, %arg9: memref<1x80xi32, #tpu.memory_space<vmem>>, %arg10: memref<80x128xf32, #tpu.memory_space<vmem>>, %arg11: memref<80x128xf32, #tpu.memory_space<vmem>>, %arg12: memref<128x128xf32, #tpu.memory_space<vmem>>, %arg13: memref<10240x128xf32, #tpu.memory_space<vmem_shared>>, %arg14: memref<!tpu.dma_semaphore, #tpu.memory_space<semaphore_mem>>, %arg15: memref<!tpu.dma_semaphore, #tpu.memory_space<semaphore_mem>>, %arg16: memref<!tpu.dma_semaphore, #tpu.memory_space<semaphore_mem>>, %arg17: memref<!tpu.dma_semaphore, #tpu.memory_space<semaphore_mem>>) attributes {dimension_semantics = [#tpu.dimension_semantics<core_parallel>, #tpu.dimension_semantics<subcore_parallel>], iteration_bounds = array<i64: 2, 16>, scalar_prefetch = 0 : i64, scratch_operands = 12 : i64, tpu.core_type = #tpu.core_type<sc_vector_subcore>, window_params = [{transform_indices = #map}, {transform_indices = #map1}, {transform_indices = #map1}, {transform_indices = #map1}]} {
    %mul3A = arith.constant 2 : i32
    %mul3A_0 = arith.muli %arg1, %mul3A : i32
    %add3A = arith.addi %mul3A_0, %arg0 : i32
    %mul3A_1 = arith.constant 125 : i32
    %mul3A_2 = arith.muli %add3A, %mul3A_1 : i32
    %broadcast_in_dim3A = arith.constant 0.000000e+00 : f32
    %broadcast_in_dim3A_3 = vector.broadcast %broadcast_in_dim3A : f32 to vector<16xf32>
    %scan3A = arith.constant 0 : i32
    %scan3A_4 = arith.constant 128 : i32
    %scan3A_5 = arith.addi %scan3A, %scan3A_4 : i32
    %scan3A_6 = arith.constant 1 : i32
    scf.for %scan3A_116 = %scan3A to %scan3A_5 step %scan3A_6  : i32 {
      %mul3A_117 = arith.constant 1 : i32
      %mul3A_118 = arith.muli %scan3A_116, %mul3A_117 : i32
      %add3A_119 = arith.constant 0 : i32
      %add3A_120 = arith.addi %add3A_119, %mul3A_118 : i32
      %scan3A_121 = arith.constant 0 : i32
      %scan3A_122 = arith.constant 8 : i32
      %scan3A_123 = arith.addi %scan3A_121, %scan3A_122 : i32
      %scan3A_124 = arith.constant 1 : i32
      scf.for %scan3A_126 = %scan3A_121 to %scan3A_123 step %scan3A_124  : i32 {
        %mul3A_127 = arith.constant 16 : i32
        %mul3A_128 = arith.muli %scan3A_126, %mul3A_127 : i32
        %add3A_129 = arith.constant 0 : i32
        %add3A_130 = arith.addi %add3A_129, %mul3A_128 : i32
        %swap3A = arith.index_cast %add3A_120 : i32 to index
        %swap3A_131 = arith.index_cast %add3A_130 : i32 to index
        %swap3A_132 = tpu.vector_load %arg12[%swap3A, %swap3A_131] {strides = array<i32>} : memref<128x128xf32, #tpu.memory_space<vmem>>, vector<16xf32>,
        tpu.vector_store %arg12[%swap3A, %swap3A_131], %broadcast_in_dim3A_3 {strides = array<i32>} : memref<128x128xf32, #tpu.memory_space<vmem>>, vector<16xf32>,
      }
      %scan3A_125 = arith.constant 8 : i32
    }
    %scan3A_7 = arith.constant 128 : i32
    %scan3A_8 = arith.constant 0 : i32
    %scan3A_9 = arith.constant 5 : i32
    %scan3A_10 = arith.addi %scan3A_8, %scan3A_9 : i32
    %scan3A_11 = arith.constant 1 : i32
    scf.for %scan3A_116 = %scan3A_8 to %scan3A_10 step %scan3A_11  : i32 {
      %mul3A_117 = arith.constant 1 : i32
      %mul3A_118 = arith.muli %scan3A_116, %mul3A_117 : i32
      %add3A_119 = arith.constant 0 : i32
      %add3A_120 = arith.addi %add3A_119, %mul3A_118 : i32
      %mul3A_121 = arith.constant 640 : i32
      %mul3A_122 = arith.muli %arg1, %mul3A_121 : i32
      %mul3A_123 = arith.constant 128 : i32
      %mul3A_124 = arith.muli %add3A_120, %mul3A_123 : i32
      %add3A_125 = arith.addi %mul3A_122, %mul3A_124 : i32
      "tpu.region"() ({
        %run_scoped3A = tpu.sem_alloc : memref<!tpu.dma_semaphore, #tpu.memory_space<semaphore_mem>>
        %dma_start3A_126 = arith.constant 0 : i32
        %dma_start3A_127 = tpu.memref_slice %arg13[%add3A_125, %dma_start3A_126] : memref<10240x128xf32, #tpu.memory_space<vmem_shared>> -> memref<128x128xf32, #tpu.memory_space<vmem_shared>>
        %dma_start3A_128 = arith.constant 0 : i32
        %dma_start3A_129 = tpu.memref_slice %arg13[%add3A_125, %dma_start3A_128] : memref<10240x128xf32, #tpu.memory_space<vmem_shared>> -> memref<128x128xf32, #tpu.memory_space<vmem_shared>>
        tpu.enqueue_dma source(%arg12 : memref<128x128xf32, #tpu.memory_space<vmem>>) target(%dma_start3A_129 : memref<128x128xf32, #tpu.memory_space<vmem_shared>>) target_semaphore(%run_scoped3A : memref<!tpu.dma_semaphore, #tpu.memory_space<semaphore_mem>>)
        %dma_wait3A_130 = arith.constant 0 : i32
        %dma_wait3A_131 = tpu.memref_slice %arg13[%add3A_125, %dma_wait3A_130] : memref<10240x128xf32, #tpu.memory_space<vmem_shared>> -> memref<128x128xf32, #tpu.memory_space<vmem_shared>>
        %dma_wait3A_132 = arith.constant 0 : i32
        %dma_wait3A_133 = tpu.memref_slice %arg13[%add3A_125, %dma_wait3A_132] : memref<10240x128xf32, #tpu.memory_space<vmem_shared>> -> memref<128x128xf32, #tpu.memory_space<vmem_shared>>
        tpu.wait_dma2 semaphore(%run_scoped3A : memref<!tpu.dma_semaphore, #tpu.memory_space<semaphore_mem>>) src(%arg12 : memref<128x128xf32, #tpu.memory_space<vmem>>) dst(%dma_wait3A_133 : memref<128x128xf32, #tpu.memory_space<vmem_shared>>)
        tpu.yield
      }) : () -> ()
    }
    %scan3A_12 = arith.constant 5 : i32
    %dma_start3A = arith.constant 0 : i32
    %dma_start3A_13 = arith.constant 0 : i32
    %dma_start3A_14 = arith.constant 0 : i32
    %dma_start3A_15 = tpu.memref_slice %arg6[%dma_start3A_13, %dma_start3A_14] : memref<1x80xi32, #tpu.memory_space<vmem>> -> memref<1x80xi32, #tpu.memory_space<vmem>>
    %dma_start3A_16 = tpu.memref_squeeze %dma_start3A_15 : memref<1x80xi32, #tpu.memory_space<vmem>> -> memref<80xi32, #tpu.memory_space<vmem>>
    %dma_start3A_17 = arith.constant 0 : i32
    %dma_start3A_18 = tpu.memref_slice %arg3[%mul3A_2, %dma_start3A, %dma_start3A_17] : memref<4000x1x80xi32, #tpu.memory_space<hbm>> -> memref<1x1x80xi32, #tpu.memory_space<hbm>>
    %dma_start3A_19 = tpu.memref_squeeze %dma_start3A_18 : memref<1x1x80xi32, #tpu.memory_space<hbm>> -> memref<80xi32, #tpu.memory_space<hbm>>
    %dma_start3A_20 = arith.constant 0 : i32
    %dma_start3A_21 = tpu.memref_slice %arg6[%dma_start3A_13, %dma_start3A_20] : memref<1x80xi32, #tpu.memory_space<vmem>> -> memref<1x80xi32, #tpu.memory_space<vmem>>
    %dma_start3A_22 = tpu.memref_squeeze %dma_start3A_21 : memref<1x80xi32, #tpu.memory_space<vmem>> -> memref<80xi32, #tpu.memory_space<vmem>>
    %dma_start3A_23 = arith.constant 0 : i32
    %dma_start3A_24 = tpu.memref_slice %arg3[%mul3A_2, %dma_start3A, %dma_start3A_23] : memref<4000x1x80xi32, #tpu.memory_space<hbm>> -> memref<1x1x80xi32, #tpu.memory_space<hbm>>
    %dma_start3A_25 = tpu.memref_squeeze %dma_start3A_24 : memref<1x1x80xi32, #tpu.memory_space<hbm>> -> memref<80xi32, #tpu.memory_space<hbm>>
    tpu.enqueue_dma source(%dma_start3A_25 : memref<80xi32, #tpu.memory_space<hbm>>) target(%dma_start3A_22 : memref<80xi32, #tpu.memory_space<vmem>>) target_semaphore(%arg16 : memref<!tpu.dma_semaphore, #tpu.memory_space<semaphore_mem>>)
    %dma_start3A_26 = arith.constant 0 : i32
    %dma_start3A_27 = arith.constant 0 : i32
    %dma_start3A_28 = arith.constant 0 : i32
    %dma_start3A_29 = tpu.memref_slice %arg7[%dma_start3A_27, %dma_start3A_28] : memref<1x80xi32, #tpu.memory_space<vmem>> -> memref<1x80xi32, #tpu.memory_space<vmem>>
    %dma_start3A_30 = tpu.memref_squeeze %dma_start3A_29 : memref<1x80xi32, #tpu.memory_space<vmem>> -> memref<80xi32, #tpu.memory_space<vmem>>
    %dma_start3A_31 = arith.constant 0 : i32
    %dma_start3A_32 = tpu.memref_slice %arg4[%mul3A_2, %dma_start3A_26, %dma_start3A_31] : memref<4000x1x80xi32, #tpu.memory_space<hbm>> -> memref<1x1x80xi32, #tpu.memory_space<hbm>>
    %dma_start3A_33 = tpu.memref_squeeze %dma_start3A_32 : memref<1x1x80xi32, #tpu.memory_space<hbm>> -> memref<80xi32, #tpu.memory_space<hbm>>
    %dma_start3A_34 = arith.constant 0 : i32
    %dma_start3A_35 = tpu.memref_slice %arg7[%dma_start3A_27, %dma_start3A_34] : memref<1x80xi32, #tpu.memory_space<vmem>> -> memref<1x80xi32, #tpu.memory_space<vmem>>
    %dma_start3A_36 = tpu.memref_squeeze %dma_start3A_35 : memref<1x80xi32, #tpu.memory_space<vmem>> -> memref<80xi32, #tpu.memory_space<vmem>>
    %dma_start3A_37 = arith.constant 0 : i32
    %dma_start3A_38 = tpu.memref_slice %arg4[%mul3A_2, %dma_start3A_26, %dma_start3A_37] : memref<4000x1x80xi32, #tpu.memory_space<hbm>> -> memref<1x1x80xi32, #tpu.memory_space<hbm>>
    %dma_start3A_39 = tpu.memref_squeeze %dma_start3A_38 : memref<1x1x80xi32, #tpu.memory_space<hbm>> -> memref<80xi32, #tpu.memory_space<hbm>>
    tpu.enqueue_dma source(%dma_start3A_39 : memref<80xi32, #tpu.memory_space<hbm>>) target(%dma_start3A_36 : memref<80xi32, #tpu.memory_space<vmem>>) target_semaphore(%arg16 : memref<!tpu.dma_semaphore, #tpu.memory_space<semaphore_mem>>)
    %add3A_40 = arith.constant 1 : i32
    %add3A_41 = arith.addi %mul3A_2, %add3A_40 : i32
    %dma_start3A_42 = arith.constant 0 : i32
    %dma_start3A_43 = arith.constant 0 : i32
    %dma_start3A_44 = arith.constant 0 : i32
    %dma_start3A_45 = tpu.memref_slice %arg8[%dma_start3A_43, %dma_start3A_44] : memref<1x80xi32, #tpu.memory_space<vmem>> -> memref<1x80xi32, #tpu.memory_space<vmem>>
    %dma_start3A_46 = tpu.memref_squeeze %dma_start3A_45 : memref<1x80xi32, #tpu.memory_space<vmem>> -> memref<80xi32, #tpu.memory_space<vmem>>
    %dma_start3A_47 = arith.constant 0 : i32
    %dma_start3A_48 = tpu.memref_slice %arg3[%add3A_41, %dma_start3A_42, %dma_start3A_47] : memref<4000x1x80xi32, #tpu.memory_space<hbm>> -> memref<1x1x80xi32, #tpu.memory_space<hbm>>
    %dma_start3A_49 = tpu.memref_squeeze %dma_start3A_48 : memref<1x1x80xi32, #tpu.memory_space<hbm>> -> memref<80xi32, #tpu.memory_space<hbm>>
    %dma_start3A_50 = arith.constant 0 : i32
    %dma_start3A_51 = tpu.memref_slice %arg8[%dma_start3A_43, %dma_start3A_50] : memref<1x80xi32, #tpu.memory_space<vmem>> -> memref<1x80xi32, #tpu.memory_space<vmem>>
    %dma_start3A_52 = tpu.memref_squeeze %dma_start3A_51 : memref<1x80xi32, #tpu.memory_space<vmem>> -> memref<80xi32, #tpu.memory_space<vmem>>
    %dma_start3A_53 = arith.constant 0 : i32
    %dma_start3A_54 = tpu.memref_slice %arg3[%add3A_41, %dma_start3A_42, %dma_start3A_53] : memref<4000x1x80xi32, #tpu.memory_space<hbm>> -> memref<1x1x80xi32, #tpu.memory_space<hbm>>
    %dma_start3A_55 = tpu.memref_squeeze %dma_start3A_54 : memref<1x1x80xi32, #tpu.memory_space<hbm>> -> memref<80xi32, #tpu.memory_space<hbm>>
    tpu.enqueue_dma source(%dma_start3A_55 : memref<80xi32, #tpu.memory_space<hbm>>) target(%dma_start3A_52 : memref<80xi32, #tpu.memory_space<vmem>>) target_semaphore(%arg17 : memref<!tpu.dma_semaphore, #tpu.memory_space<semaphore_mem>>)
    %add3A_56 = arith.constant 1 : i32
    %add3A_57 = arith.addi %mul3A_2, %add3A_56 : i32
    %dma_start3A_58 = arith.constant 0 : i32
    %dma_start3A_59 = arith.constant 0 : i32
    %dma_start3A_60 = arith.constant 0 : i32
    %dma_start3A_61 = tpu.memref_slice %arg9[%dma_start3A_59, %dma_start3A_60] : memref<1x80xi32, #tpu.memory_space<vmem>> -> memref<1x80xi32, #tpu.memory_space<vmem>>
    %dma_start3A_62 = tpu.memref_squeeze %dma_start3A_61 : memref<1x80xi32, #tpu.memory_space<vmem>> -> memref<80xi32, #tpu.memory_space<vmem>>
    %dma_start3A_63 = arith.constant 0 : i32
    %dma_start3A_64 = tpu.memref_slice %arg4[%add3A_57, %dma_start3A_58, %dma_start3A_63] : memref<4000x1x80xi32, #tpu.memory_space<hbm>> -> memref<1x1x80xi32, #tpu.memory_space<hbm>>
    %dma_start3A_65 = tpu.memref_squeeze %dma_start3A_64 : memref<1x1x80xi32, #tpu.memory_space<hbm>> -> memref<80xi32, #tpu.memory_space<hbm>>
    %dma_start3A_66 = arith.constant 0 : i32
    %dma_start3A_67 = tpu.memref_slice %arg9[%dma_start3A_59, %dma_start3A_66] : memref<1x80xi32, #tpu.memory_space<vmem>> -> memref<1x80xi32, #tpu.memory_space<vmem>>
    %dma_start3A_68 = tpu.memref_squeeze %dma_start3A_67 : memref<1x80xi32, #tpu.memory_space<vmem>> -> memref<80xi32, #tpu.memory_space<vmem>>
    %dma_start3A_69 = arith.constant 0 : i32
    %dma_start3A_70 = tpu.memref_slice %arg4[%add3A_57, %dma_start3A_58, %dma_start3A_69] : memref<4000x1x80xi32, #tpu.memory_space<hbm>> -> memref<1x1x80xi32, #tpu.memory_space<hbm>>
    %dma_start3A_71 = tpu.memref_squeeze %dma_start3A_70 : memref<1x1x80xi32, #tpu.memory_space<hbm>> -> memref<80xi32, #tpu.memory_space<hbm>>
    tpu.enqueue_dma source(%dma_start3A_71 : memref<80xi32, #tpu.memory_space<hbm>>) target(%dma_start3A_68 : memref<80xi32, #tpu.memory_space<vmem>>) target_semaphore(%arg17 : memref<!tpu.dma_semaphore, #tpu.memory_space<semaphore_mem>>)
    %barrier3A = arith.constant 0 : index
    tpu.barrier barrier_id(%barrier3A)
    %dma_wait3A = arith.constant 0 : i32
    %dma_wait3A_72 = arith.constant 0 : i32
    %dma_wait3A_73 = arith.constant 0 : i32
    %dma_wait3A_74 = tpu.memref_slice %arg6[%dma_wait3A_72, %dma_wait3A_73] : memref<1x80xi32, #tpu.memory_space<vmem>> -> memref<1x80xi32, #tpu.memory_space<vmem>>
    %dma_wait3A_75 = tpu.memref_squeeze %dma_wait3A_74 : memref<1x80xi32, #tpu.memory_space<vmem>> -> memref<80xi32, #tpu.memory_space<vmem>>
    %dma_wait3A_76 = arith.constant 0 : i32
    %dma_wait3A_77 = tpu.memref_slice %arg3[%mul3A_2, %dma_wait3A, %dma_wait3A_76] : memref<4000x1x80xi32, #tpu.memory_space<hbm>> -> memref<1x1x80xi32, #tpu.memory_space<hbm>>
    %dma_wait3A_78 = tpu.memref_squeeze %dma_wait3A_77 : memref<1x1x80xi32, #tpu.memory_space<hbm>> -> memref<80xi32, #tpu.memory_space<hbm>>
    %dma_wait3A_79 = arith.constant 0 : i32
    %dma_wait3A_80 = tpu.memref_slice %arg6[%dma_wait3A_72, %dma_wait3A_79] : memref<1x80xi32, #tpu.memory_space<vmem>> -> memref<1x80xi32, #tpu.memory_space<vmem>>
    %dma_wait3A_81 = tpu.memref_squeeze %dma_wait3A_80 : memref<1x80xi32, #tpu.memory_space<vmem>> -> memref<80xi32, #tpu.memory_space<vmem>>
    %dma_wait3A_82 = arith.constant 0 : i32
    %dma_wait3A_83 = tpu.memref_slice %arg3[%mul3A_2, %dma_wait3A, %dma_wait3A_82] : memref<4000x1x80xi32, #tpu.memory_space<hbm>> -> memref<1x1x80xi32, #tpu.memory_space<hbm>>
    %dma_wait3A_84 = tpu.memref_squeeze %dma_wait3A_83 : memref<1x1x80xi32, #tpu.memory_space<hbm>> -> memref<80xi32, #tpu.memory_space<hbm>>
    tpu.wait_dma2 semaphore(%arg16 : memref<!tpu.dma_semaphore, #tpu.memory_space<semaphore_mem>>) src(%dma_wait3A_84 : memref<80xi32, #tpu.memory_space<hbm>>) dst(%dma_wait3A_81 : memref<80xi32, #tpu.memory_space<vmem>>)
    %dma_wait3A_85 = arith.constant 0 : i32
    %dma_wait3A_86 = arith.constant 0 : i32
    %dma_wait3A_87 = arith.constant 0 : i32
    %dma_wait3A_88 = tpu.memref_slice %arg7[%dma_wait3A_86, %dma_wait3A_87] : memref<1x80xi32, #tpu.memory_space<vmem>> -> memref<1x80xi32, #tpu.memory_space<vmem>>
    %dma_wait3A_89 = tpu.memref_squeeze %dma_wait3A_88 : memref<1x80xi32, #tpu.memory_space<vmem>> -> memref<80xi32, #tpu.memory_space<vmem>>
    %dma_wait3A_90 = arith.constant 0 : i32
    %dma_wait3A_91 = tpu.memref_slice %arg4[%mul3A_2, %dma_wait3A_85, %dma_wait3A_90] : memref<4000x1x80xi32, #tpu.memory_space<hbm>> -> memref<1x1x80xi32, #tpu.memory_space<hbm>>
    %dma_wait3A_92 = tpu.memref_squeeze %dma_wait3A_91 : memref<1x1x80xi32, #tpu.memory_space<hbm>> -> memref<80xi32, #tpu.memory_space<hbm>>
    %dma_wait3A_93 = arith.constant 0 : i32
    %dma_wait3A_94 = tpu.memref_slice %arg7[%dma_wait3A_86, %dma_wait3A_93] : memref<1x80xi32, #tpu.memory_space<vmem>> -> memref<1x80xi32, #tpu.memory_space<vmem>>
    %dma_wait3A_95 = tpu.memref_squeeze %dma_wait3A_94 : memref<1x80xi32, #tpu.memory_space<vmem>> -> memref<80xi32, #tpu.memory_space<vmem>>
    %dma_wait3A_96 = arith.constant 0 : i32
    %dma_wait3A_97 = tpu.memref_slice %arg4[%mul3A_2, %dma_wait3A_85, %dma_wait3A_96] : memref<4000x1x80xi32, #tpu.memory_space<hbm>> -> memref<1x1x80xi32, #tpu.memory_space<hbm>>
    %dma_wait3A_98 = tpu.memref_squeeze %dma_wait3A_97 : memref<1x1x80xi32, #tpu.memory_space<hbm>> -> memref<80xi32, #tpu.memory_space<hbm>>
    tpu.wait_dma2 semaphore(%arg16 : memref<!tpu.dma_semaphore, #tpu.memory_space<semaphore_mem>>) src(%dma_wait3A_98 : memref<80xi32, #tpu.memory_space<hbm>>) dst(%dma_wait3A_95 : memref<80xi32, #tpu.memory_space<vmem>>)
    %dma_start3A_99 = arith.constant 0 : i32
    %dma_start3A_100 = arith.constant 0 : i32
    %dma_start3A_101 = tpu.memref_slice %arg6[%dma_start3A_99, %dma_start3A_100] : memref<1x80xi32, #tpu.memory_space<vmem>> -> memref<1x80xi32, #tpu.memory_space<vmem>>
    %dma_start3A_102 = tpu.memref_squeeze %dma_start3A_101 : memref<1x80xi32, #tpu.memory_space<vmem>> -> memref<80xi32, #tpu.memory_space<vmem>>
    %dma_start3A_103 = arith.constant 0 : i32
    %dma_start3A_104 = arith.constant 0 : i32
    %dma_start3A_105 = tpu.memref_slice %arg2[%dma_start3A_103, %dma_start3A_104] : memref<10000x128xf32, #tpu.memory_space<hbm>> -> memref<10000x128xf32, #tpu.memory_space<hbm>>
    tpu.enqueue_indirect_dma source(%dma_start3A_105 : memref<10000x128xf32, #tpu.memory_space<hbm>>) target(%arg10 : memref<80x128xf32, #tpu.memory_space<vmem>>) offsets(%dma_start3A_102 : memref<80xi32, #tpu.memory_space<vmem>>) semaphore(%arg14 : memref<!tpu.dma_semaphore, #tpu.memory_space<semaphore_mem>>)
    %scan3A_106 = arith.constant 0 : i32
    %scan3A_107 = arith.constant 63 : i32
    %scan3A_108 = arith.addi %scan3A_106, %scan3A_107 : i32
    %scan3A_109 = arith.constant 1 : i32
    scf.for %scan3A_116 = %scan3A_106 to %scan3A_108 step %scan3A_109  : i32 {
      %mul3A_117 = arith.constant 2 : i32
      %mul3A_118 = arith.muli %scan3A_116, %mul3A_117 : i32
      %add3A_119 = arith.constant 0 : i32
      %add3A_120 = arith.addi %add3A_119, %mul3A_118 : i32
      %dma_wait3A_121 = arith.constant 0 : i32
      %dma_wait3A_122 = arith.constant 0 : i32
      %dma_wait3A_123 = tpu.memref_slice %arg6[%dma_wait3A_121, %dma_wait3A_122] : memref<1x80xi32, #tpu.memory_space<vmem>> -> memref<1x80xi32, #tpu.memory_space<vmem>>
      %dma_wait3A_124 = tpu.memref_squeeze %dma_wait3A_123 : memref<1x80xi32, #tpu.memory_space<vmem>> -> memref<80xi32, #tpu.memory_space<vmem>>
      %dma_wait3A_125 = arith.constant 0 : i32
      %dma_wait3A_126 = arith.constant 0 : i32
      %dma_wait3A_127 = tpu.memref_slice %arg2[%dma_wait3A_125, %dma_wait3A_126] : memref<10000x128xf32, #tpu.memory_space<hbm>> -> memref<10000x128xf32, #tpu.memory_space<hbm>>
      tpu.wait_indirect_dma semaphore(%arg14 : memref<!tpu.dma_semaphore, #tpu.memory_space<semaphore_mem>>) src(%dma_wait3A_127 : memref<10000x128xf32, #tpu.memory_space<hbm>>) dst(%arg10 : memref<80x128xf32, #tpu.memory_space<vmem>>)
      %add3A_128 = arith.constant 1 : i32
      %add3A_129 = arith.addi %add3A_120, %add3A_128 : i32
      %lt3A = arith.constant 125 : i32
      %lt3A_130 = arith.cmpi slt, %add3A_129, %lt3A : i32
      %convert_element_type3A = arith.extui %lt3A_130 : i1 to i32
      %cond3A = arith.constant 0 : i32
      %cond3A_131 = arith.cmpi ne, %convert_element_type3A, %cond3A : i32
      scf.if %cond3A_131 {
        %dma_wait3A_146 = arith.constant 0 : i32
        %dma_wait3A_147 = arith.constant 0 : i32
        %dma_wait3A_148 = arith.constant 0 : i32
        %dma_wait3A_149 = tpu.memref_slice %arg8[%dma_wait3A_147, %dma_wait3A_148] : memref<1x80xi32, #tpu.memory_space<vmem>> -> memref<1x80xi32, #tpu.memory_space<vmem>>
        %dma_wait3A_150 = tpu.memref_squeeze %dma_wait3A_149 : memref<1x80xi32, #tpu.memory_space<vmem>> -> memref<80xi32, #tpu.memory_space<vmem>>
        %dma_wait3A_151 = arith.constant 0 : i32
        %dma_wait3A_152 = tpu.memref_slice %arg3[%mul3A_2, %dma_wait3A_146, %dma_wait3A_151] : memref<4000x1x80xi32, #tpu.memory_space<hbm>> -> memref<1x1x80xi32, #tpu.memory_space<hbm>>
        %dma_wait3A_153 = tpu.memref_squeeze %dma_wait3A_152 : memref<1x1x80xi32, #tpu.memory_space<hbm>> -> memref<80xi32, #tpu.memory_space<hbm>>
        %dma_wait3A_154 = arith.constant 0 : i32
        %dma_wait3A_155 = tpu.memref_slice %arg8[%dma_wait3A_147, %dma_wait3A_154] : memref<1x80xi32, #tpu.memory_space<vmem>> -> memref<1x80xi32, #tpu.memory_space<vmem>>
        %dma_wait3A_156 = tpu.memref_squeeze %dma_wait3A_155 : memref<1x80xi32, #tpu.memory_space<vmem>> -> memref<80xi32, #tpu.memory_space<vmem>>
        %dma_wait3A_157 = arith.constant 0 : i32
        %dma_wait3A_158 = tpu.memref_slice %arg3[%mul3A_2, %dma_wait3A_146, %dma_wait3A_157] : memref<4000x1x80xi32, #tpu.memory_space<hbm>> -> memref<1x1x80xi32, #tpu.memory_space<hbm>>
        %dma_wait3A_159 = tpu.memref_squeeze %dma_wait3A_158 : memref<1x1x80xi32, #tpu.memory_space<hbm>> -> memref<80xi32, #tpu.memory_space<hbm>>
        tpu.wait_dma2 semaphore(%arg17 : memref<!tpu.dma_semaphore, #tpu.memory_space<semaphore_mem>>) src(%dma_wait3A_159 : memref<80xi32, #tpu.memory_space<hbm>>) dst(%dma_wait3A_156 : memref<80xi32, #tpu.memory_space<vmem>>)
        %dma_wait3A_160 = arith.constant 0 : i32
        %dma_wait3A_161 = arith.constant 0 : i32
        %dma_wait3A_162 = arith.constant 0 : i32
        %dma_wait3A_163 = tpu.memref_slice %arg9[%dma_wait3A_161, %dma_wait3A_162] : memref<1x80xi32, #tpu.memory_space<vmem>> -> memref<1x80xi32, #tpu.memory_space<vmem>>
        %dma_wait3A_164 = tpu.memref_squeeze %dma_wait3A_163 : memref<1x80xi32, #tpu.memory_space<vmem>> -> memref<80xi32, #tpu.memory_space<vmem>>
        %dma_wait3A_165 = arith.constant 0 : i32
        %dma_wait3A_166 = tpu.memref_slice %arg4[%mul3A_2, %dma_wait3A_160, %dma_wait3A_165] : memref<4000x1x80xi32, #tpu.memory_space<hbm>> -> memref<1x1x80xi32, #tpu.memory_space<hbm>>
        %dma_wait3A_167 = tpu.memref_squeeze %dma_wait3A_166 : memref<1x1x80xi32, #tpu.memory_space<hbm>> -> memref<80xi32, #tpu.memory_space<hbm>>
        %dma_wait3A_168 = arith.constant 0 : i32
        %dma_wait3A_169 = tpu.memref_slice %arg9[%dma_wait3A_161, %dma_wait3A_168] : memref<1x80xi32, #tpu.memory_space<vmem>> -> memref<1x80xi32, #tpu.memory_space<vmem>>
        %dma_wait3A_170 = tpu.memref_squeeze %dma_wait3A_169 : memref<1x80xi32, #tpu.memory_space<vmem>> -> memref<80xi32, #tpu.memory_space<vmem>>
        %dma_wait3A_171 = arith.constant 0 : i32
        %dma_wait3A_172 = tpu.memref_slice %arg4[%mul3A_2, %dma_wait3A_160, %dma_wait3A_171] : memref<4000x1x80xi32, #tpu.memory_space<hbm>> -> memref<1x1x80xi32, #tpu.memory_space<hbm>>
        %dma_wait3A_173 = tpu.memref_squeeze %dma_wait3A_172 : memref<1x1x80xi32, #tpu.memory_space<hbm>> -> memref<80xi32, #tpu.memory_space<hbm>>
        tpu.wait_dma2 semaphore(%arg17 : memref<!tpu.dma_semaphore, #tpu.memory_space<semaphore_mem>>) src(%dma_wait3A_173 : memref<80xi32, #tpu.memory_space<hbm>>) dst(%dma_wait3A_170 : memref<80xi32, #tpu.memory_space<vmem>>)
        %dma_start3A_174 = arith.constant 0 : i32
        %dma_start3A_175 = arith.constant 0 : i32
        %dma_start3A_176 = tpu.memref_slice %arg8[%dma_start3A_174, %dma_start3A_175] : memref<1x80xi32, #tpu.memory_space<vmem>> -> memref<1x80xi32, #tpu.memory_space<vmem>>
        %dma_start3A_177 = tpu.memref_squeeze %dma_start3A_176 : memref<1x80xi32, #tpu.memory_space<vmem>> -> memref<80xi32, #tpu.memory_space<vmem>>
        %dma_start3A_178 = arith.constant 0 : i32
        %dma_start3A_179 = arith.constant 0 : i32
        %dma_start3A_180 = tpu.memref_slice %arg2[%dma_start3A_178, %dma_start3A_179] : memref<10000x128xf32, #tpu.memory_space<hbm>> -> memref<10000x128xf32, #tpu.memory_space<hbm>>
        tpu.enqueue_indirect_dma source(%dma_start3A_180 : memref<10000x128xf32, #tpu.memory_space<hbm>>) target(%arg11 : memref<80x128xf32, #tpu.memory_space<vmem>>) offsets(%dma_start3A_177 : memref<80xi32, #tpu.memory_space<vmem>>) semaphore(%arg15 : memref<!tpu.dma_semaphore, #tpu.memory_space<semaphore_mem>>)
      } else {
      }
      %run_scoped3A = arith.constant 0 : i32
      "tpu.region"() ({
        %run_scoped3A_146 = tpu.sem_alloc : memref<!tpu.dma_semaphore, #tpu.memory_space<semaphore_mem>>
        %dma_start3A_147 = arith.constant 0 : i32
        %dma_start3A_148 = tpu.memref_slice %arg7[%run_scoped3A, %dma_start3A_147] : memref<1x80xi32, #tpu.memory_space<vmem>> -> memref<1x80xi32, #tpu.memory_space<vmem>>
        %dma_start3A_149 = tpu.memref_squeeze %dma_start3A_148 : memref<1x80xi32, #tpu.memory_space<vmem>> -> memref<80xi32, #tpu.memory_space<vmem>>
        %dma_start3A_150 = arith.constant 0 : i32
        %dma_start3A_151 = arith.constant 0 : i32
        %dma_start3A_152 = tpu.memref_slice %arg13[%dma_start3A_150, %dma_start3A_151] : memref<10240x128xf32, #tpu.memory_space<vmem_shared>> -> memref<10240x128xf32, #tpu.memory_space<vmem_shared>>
        tpu.enqueue_indirect_dma source(%arg10 : memref<80x128xf32, #tpu.memory_space<vmem>>) target(%dma_start3A_152 : memref<10240x128xf32, #tpu.memory_space<vmem_shared>>) offsets(%dma_start3A_149 : memref<80xi32, #tpu.memory_space<vmem>>) semaphore(%run_scoped3A_146 : memref<!tpu.dma_semaphore, #tpu.memory_space<semaphore_mem>>) {add = true}
        %dma_wait3A_153 = arith.constant 0 : i32
        %dma_wait3A_154 = tpu.memref_slice %arg7[%run_scoped3A, %dma_wait3A_153] : memref<1x80xi32, #tpu.memory_space<vmem>> -> memref<1x80xi32, #tpu.memory_space<vmem>>
        %dma_wait3A_155 = tpu.memref_squeeze %dma_wait3A_154 : memref<1x80xi32, #tpu.memory_space<vmem>> -> memref<80xi32, #tpu.memory_space<vmem>>
        %dma_wait3A_156 = arith.constant 0 : i32
        %dma_wait3A_157 = arith.constant 0 : i32
        %dma_wait3A_158 = tpu.memref_slice %arg13[%dma_wait3A_156, %dma_wait3A_157] : memref<10240x128xf32, #tpu.memory_space<vmem_shared>> -> memref<10240x128xf32, #tpu.memory_space<vmem_shared>>
        tpu.wait_indirect_dma semaphore(%run_scoped3A_146 : memref<!tpu.dma_semaphore, #tpu.memory_space<semaphore_mem>>) src(%arg10 : memref<80x128xf32, #tpu.memory_space<vmem>>) dst(%dma_wait3A_158 : memref<10240x128xf32, #tpu.memory_space<vmem_shared>>)
        tpu.yield
      }) : () -> ()
      %add3A_132 = arith.constant 2 : i32
      %add3A_133 = arith.addi %add3A_120, %add3A_132 : i32
      %lt3A_134 = arith.constant 125 : i32
      %lt3A_135 = arith.cmpi slt, %add3A_133, %lt3A_134 : i32
      %convert_element_type3A_136 = arith.extui %lt3A_135 : i1 to i32
      %cond3A_137 = arith.constant 0 : i32
      %cond3A_138 = arith.cmpi ne, %convert_element_type3A_136, %cond3A_137 : i32
      scf.if %cond3A_138 {
        %add3A_146 = arith.addi %mul3A_2, %add3A_120 : i32
        %add3A_147 = arith.constant 2 : i32
        %add3A_148 = arith.addi %add3A_146, %add3A_147 : i32
        %dma_start3A_149 = arith.constant 0 : i32
        %dma_start3A_150 = arith.constant 0 : i32
        %dma_start3A_151 = arith.constant 0 : i32
        %dma_start3A_152 = tpu.memref_slice %arg6[%dma_start3A_150, %dma_start3A_151] : memref<1x80xi32, #tpu.memory_space<vmem>> -> memref<1x80xi32, #tpu.memory_space<vmem>>
        %dma_start3A_153 = tpu.memref_squeeze %dma_start3A_152 : memref<1x80xi32, #tpu.memory_space<vmem>> -> memref<80xi32, #tpu.memory_space<vmem>>
        %dma_start3A_154 = arith.constant 0 : i32
        %dma_start3A_155 = tpu.memref_slice %arg3[%add3A_148, %dma_start3A_149, %dma_start3A_154] : memref<4000x1x80xi32, #tpu.memory_space<hbm>> -> memref<1x1x80xi32, #tpu.memory_space<hbm>>
        %dma_start3A_156 = tpu.memref_squeeze %dma_start3A_155 : memref<1x1x80xi32, #tpu.memory_space<hbm>> -> memref<80xi32, #tpu.memory_space<hbm>>
        %dma_start3A_157 = arith.constant 0 : i32
        %dma_start3A_158 = tpu.memref_slice %arg6[%dma_start3A_150, %dma_start3A_157] : memref<1x80xi32, #tpu.memory_space<vmem>> -> memref<1x80xi32, #tpu.memory_space<vmem>>
        %dma_start3A_159 = tpu.memref_squeeze %dma_start3A_158 : memref<1x80xi32, #tpu.memory_space<vmem>> -> memref<80xi32, #tpu.memory_space<vmem>>
        %dma_start3A_160 = arith.constant 0 : i32
        %dma_start3A_161 = tpu.memref_slice %arg3[%add3A_148, %dma_start3A_149, %dma_start3A_160] : memref<4000x1x80xi32, #tpu.memory_space<hbm>> -> memref<1x1x80xi32, #tpu.memory_space<hbm>>
        %dma_start3A_162 = tpu.memref_squeeze %dma_start3A_161 : memref<1x1x80xi32, #tpu.memory_space<hbm>> -> memref<80xi32, #tpu.memory_space<hbm>>
        tpu.enqueue_dma source(%dma_start3A_162 : memref<80xi32, #tpu.memory_space<hbm>>) target(%dma_start3A_159 : memref<80xi32, #tpu.memory_space<vmem>>) target_semaphore(%arg16 : memref<!tpu.dma_semaphore, #tpu.memory_space<semaphore_mem>>)
        %add3A_163 = arith.addi %mul3A_2, %add3A_120 : i32
        %add3A_164 = arith.constant 2 : i32
        %add3A_165 = arith.addi %add3A_163, %add3A_164 : i32
        %dma_start3A_166 = arith.constant 0 : i32
        %dma_start3A_167 = arith.constant 0 : i32
        %dma_start3A_168 = arith.constant 0 : i32
        %dma_start3A_169 = tpu.memref_slice %arg7[%dma_start3A_167, %dma_start3A_168] : memref<1x80xi32, #tpu.memory_space<vmem>> -> memref<1x80xi32, #tpu.memory_space<vmem>>
        %dma_start3A_170 = tpu.memref_squeeze %dma_start3A_169 : memref<1x80xi32, #tpu.memory_space<vmem>> -> memref<80xi32, #tpu.memory_space<vmem>>
        %dma_start3A_171 = arith.constant 0 : i32
        %dma_start3A_172 = tpu.memref_slice %arg4[%add3A_165, %dma_start3A_166, %dma_start3A_171] : memref<4000x1x80xi32, #tpu.memory_space<hbm>> -> memref<1x1x80xi32, #tpu.memory_space<hbm>>
        %dma_start3A_173 = tpu.memref_squeeze %dma_start3A_172 : memref<1x1x80xi32, #tpu.memory_space<hbm>> -> memref<80xi32, #tpu.memory_space<hbm>>
        %dma_start3A_174 = arith.constant 0 : i32
        %dma_start3A_175 = tpu.memref_slice %arg7[%dma_start3A_167, %dma_start3A_174] : memref<1x80xi32, #tpu.memory_space<vmem>> -> memref<1x80xi32, #tpu.memory_space<vmem>>
        %dma_start3A_176 = tpu.memref_squeeze %dma_start3A_175 : memref<1x80xi32, #tpu.memory_space<vmem>> -> memref<80xi32, #tpu.memory_space<vmem>>
        %dma_start3A_177 = arith.constant 0 : i32
        %dma_start3A_178 = tpu.memref_slice %arg4[%add3A_165, %dma_start3A_166, %dma_start3A_177] : memref<4000x1x80xi32, #tpu.memory_space<hbm>> -> memref<1x1x80xi32, #tpu.memory_space<hbm>>
        %dma_start3A_179 = tpu.memref_squeeze %dma_start3A_178 : memref<1x1x80xi32, #tpu.memory_space<hbm>> -> memref<80xi32, #tpu.memory_space<hbm>>
        tpu.enqueue_dma source(%dma_start3A_179 : memref<80xi32, #tpu.memory_space<hbm>>) target(%dma_start3A_176 : memref<80xi32, #tpu.memory_space<vmem>>) target_semaphore(%arg16 : memref<!tpu.dma_semaphore, #tpu.memory_space<semaphore_mem>>)
      } else {
      }
      %add3A_139 = arith.constant 1 : i32
      %add3A_140 = arith.addi %add3A_120, %add3A_139 : i32
      %lt3A_141 = arith.constant 125 : i32
      %lt3A_142 = arith.cmpi slt, %add3A_140, %lt3A_141 : i32
      %convert_element_type3A_143 = arith.extui %lt3A_142 : i1 to i32
      %cond3A_144 = arith.constant 0 : i32
      %cond3A_145 = arith.cmpi ne, %convert_element_type3A_143, %cond3A_144 : i32
      scf.if %cond3A_145 {
        %dma_wait3A_146 = arith.constant 0 : i32
        %dma_wait3A_147 = arith.constant 0 : i32
        %dma_wait3A_148 = tpu.memref_slice %arg8[%dma_wait3A_146, %dma_wait3A_147] : memref<1x80xi32, #tpu.memory_space<vmem>> -> memref<1x80xi32, #tpu.memory_space<vmem>>
        %dma_wait3A_149 = tpu.memref_squeeze %dma_wait3A_148 : memref<1x80xi32, #tpu.memory_space<vmem>> -> memref<80xi32, #tpu.memory_space<vmem>>
        %dma_wait3A_150 = arith.constant 0 : i32
        %dma_wait3A_151 = arith.constant 0 : i32
        %dma_wait3A_152 = tpu.memref_slice %arg2[%dma_wait3A_150, %dma_wait3A_151] : memref<10000x128xf32, #tpu.memory_space<hbm>> -> memref<10000x128xf32, #tpu.memory_space<hbm>>
        tpu.wait_indirect_dma semaphore(%arg15 : memref<!tpu.dma_semaphore, #tpu.memory_space<semaphore_mem>>) src(%dma_wait3A_152 : memref<10000x128xf32, #tpu.memory_space<hbm>>) dst(%arg11 : memref<80x128xf32, #tpu.memory_space<vmem>>)
        %add3A_153 = arith.constant 2 : i32
        %add3A_154 = arith.addi %add3A_120, %add3A_153 : i32
        %lt3A_155 = arith.constant 125 : i32
        %lt3A_156 = arith.cmpi slt, %add3A_154, %lt3A_155 : i32
        %convert_element_type3A_157 = arith.extui %lt3A_156 : i1 to i32
        %cond3A_158 = arith.constant 0 : i32
        %cond3A_159 = arith.cmpi ne, %convert_element_type3A_157, %cond3A_158 : i32
        scf.if %cond3A_159 {
          %dma_wait3A_168 = arith.constant 0 : i32
          %dma_wait3A_169 = arith.constant 0 : i32
          %dma_wait3A_170 = arith.constant 0 : i32
          %dma_wait3A_171 = tpu.memref_slice %arg6[%dma_wait3A_169, %dma_wait3A_170] : memref<1x80xi32, #tpu.memory_space<vmem>> -> memref<1x80xi32, #tpu.memory_space<vmem>>
          %dma_wait3A_172 = tpu.memref_squeeze %dma_wait3A_171 : memref<1x80xi32, #tpu.memory_space<vmem>> -> memref<80xi32, #tpu.memory_space<vmem>>
          %dma_wait3A_173 = arith.constant 0 : i32
          %dma_wait3A_174 = tpu.memref_slice %arg3[%mul3A_2, %dma_wait3A_168, %dma_wait3A_173] : memref<4000x1x80xi32, #tpu.memory_space<hbm>> -> memref<1x1x80xi32, #tpu.memory_space<hbm>>
          %dma_wait3A_175 = tpu.memref_squeeze %dma_wait3A_174 : memref<1x1x80xi32, #tpu.memory_space<hbm>> -> memref<80xi32, #tpu.memory_space<hbm>>
          %dma_wait3A_176 = arith.constant 0 : i32
          %dma_wait3A_177 = tpu.memref_slice %arg6[%dma_wait3A_169, %dma_wait3A_176] : memref<1x80xi32, #tpu.memory_space<vmem>> -> memref<1x80xi32, #tpu.memory_space<vmem>>
          %dma_wait3A_178 = tpu.memref_squeeze %dma_wait3A_177 : memref<1x80xi32, #tpu.memory_space<vmem>> -> memref<80xi32, #tpu.memory_space<vmem>>
          %dma_wait3A_179 = arith.constant 0 : i32
          %dma_wait3A_180 = tpu.memref_slice %arg3[%mul3A_2, %dma_wait3A_168, %dma_wait3A_179] : memref<4000x1x80xi32, #tpu.memory_space<hbm>> -> memref<1x1x80xi32, #tpu.memory_space<hbm>>
          %dma_wait3A_181 = tpu.memref_squeeze %dma_wait3A_180 : memref<1x1x80xi32, #tpu.memory_space<hbm>> -> memref<80xi32, #tpu.memory_space<hbm>>
          tpu.wait_dma2 semaphore(%arg16 : memref<!tpu.dma_semaphore, #tpu.memory_space<semaphore_mem>>) src(%dma_wait3A_181 : memref<80xi32, #tpu.memory_space<hbm>>) dst(%dma_wait3A_178 : memref<80xi32, #tpu.memory_space<vmem>>)
          %dma_wait3A_182 = arith.constant 0 : i32
          %dma_wait3A_183 = arith.constant 0 : i32
          %dma_wait3A_184 = arith.constant 0 : i32
          %dma_wait3A_185 = tpu.memref_slice %arg7[%dma_wait3A_183, %dma_wait3A_184] : memref<1x80xi32, #tpu.memory_space<vmem>> -> memref<1x80xi32, #tpu.memory_space<vmem>>
          %dma_wait3A_186 = tpu.memref_squeeze %dma_wait3A_185 : memref<1x80xi32, #tpu.memory_space<vmem>> -> memref<80xi32, #tpu.memory_space<vmem>>
          %dma_wait3A_187 = arith.constant 0 : i32
          %dma_wait3A_188 = tpu.memref_slice %arg4[%mul3A_2, %dma_wait3A_182, %dma_wait3A_187] : memref<4000x1x80xi32, #tpu.memory_space<hbm>> -> memref<1x1x80xi32, #tpu.memory_space<hbm>>
          %dma_wait3A_189 = tpu.memref_squeeze %dma_wait3A_188 : memref<1x1x80xi32, #tpu.memory_space<hbm>> -> memref<80xi32, #tpu.memory_space<hbm>>
          %dma_wait3A_190 = arith.constant 0 : i32
          %dma_wait3A_191 = tpu.memref_slice %arg7[%dma_wait3A_183, %dma_wait3A_190] : memref<1x80xi32, #tpu.memory_space<vmem>> -> memref<1x80xi32, #tpu.memory_space<vmem>>
          %dma_wait3A_192 = tpu.memref_squeeze %dma_wait3A_191 : memref<1x80xi32, #tpu.memory_space<vmem>> -> memref<80xi32, #tpu.memory_space<vmem>>
          %dma_wait3A_193 = arith.constant 0 : i32
          %dma_wait3A_194 = tpu.memref_slice %arg4[%mul3A_2, %dma_wait3A_182, %dma_wait3A_193] : memref<4000x1x80xi32, #tpu.memory_space<hbm>> -> memref<1x1x80xi32, #tpu.memory_space<hbm>>
          %dma_wait3A_195 = tpu.memref_squeeze %dma_wait3A_194 : memref<1x1x80xi32, #tpu.memory_space<hbm>> -> memref<80xi32, #tpu.memory_space<hbm>>
          tpu.wait_dma2 semaphore(%arg16 : memref<!tpu.dma_semaphore, #tpu.memory_space<semaphore_mem>>) src(%dma_wait3A_195 : memref<80xi32, #tpu.memory_space<hbm>>) dst(%dma_wait3A_192 : memref<80xi32, #tpu.memory_space<vmem>>)
          %dma_start3A_196 = arith.constant 0 : i32
          %dma_start3A_197 = arith.constant 0 : i32
          %dma_start3A_198 = tpu.memref_slice %arg6[%dma_start3A_196, %dma_start3A_197] : memref<1x80xi32, #tpu.memory_space<vmem>> -> memref<1x80xi32, #tpu.memory_space<vmem>>
          %dma_start3A_199 = tpu.memref_squeeze %dma_start3A_198 : memref<1x80xi32, #tpu.memory_space<vmem>> -> memref<80xi32, #tpu.memory_space<vmem>>
          %dma_start3A_200 = arith.constant 0 : i32
          %dma_start3A_201 = arith.constant 0 : i32
          %dma_start3A_202 = tpu.memref_slice %arg2[%dma_start3A_200, %dma_start3A_201] : memref<10000x128xf32, #tpu.memory_space<hbm>> -> memref<10000x128xf32, #tpu.memory_space<hbm>>
          tpu.enqueue_indirect_dma source(%dma_start3A_202 : memref<10000x128xf32, #tpu.memory_space<hbm>>) target(%arg10 : memref<80x128xf32, #tpu.memory_space<vmem>>) offsets(%dma_start3A_199 : memref<80xi32, #tpu.memory_space<vmem>>) semaphore(%arg14 : memref<!tpu.dma_semaphore, #tpu.memory_space<semaphore_mem>>)
        } else {
        }
        %run_scoped3A_160 = arith.constant 0 : i32
        "tpu.region"() ({
          %run_scoped3A_168 = tpu.sem_alloc : memref<!tpu.dma_semaphore, #tpu.memory_space<semaphore_mem>>
          %dma_start3A_169 = arith.constant 0 : i32
          %dma_start3A_170 = tpu.memref_slice %arg9[%run_scoped3A_160, %dma_start3A_169] : memref<1x80xi32, #tpu.memory_space<vmem>> -> memref<1x80xi32, #tpu.memory_space<vmem>>
          %dma_start3A_171 = tpu.memref_squeeze %dma_start3A_170 : memref<1x80xi32, #tpu.memory_space<vmem>> -> memref<80xi32, #tpu.memory_space<vmem>>
          %dma_start3A_172 = arith.constant 0 : i32
          %dma_start3A_173 = arith.constant 0 : i32
          %dma_start3A_174 = tpu.memref_slice %arg13[%dma_start3A_172, %dma_start3A_173] : memref<10240x128xf32, #tpu.memory_space<vmem_shared>> -> memref<10240x128xf32, #tpu.memory_space<vmem_shared>>
          tpu.enqueue_indirect_dma source(%arg11 : memref<80x128xf32, #tpu.memory_space<vmem>>) target(%dma_start3A_174 : memref<10240x128xf32, #tpu.memory_space<vmem_shared>>) offsets(%dma_start3A_171 : memref<80xi32, #tpu.memory_space<vmem>>) semaphore(%run_scoped3A_168 : memref<!tpu.dma_semaphore, #tpu.memory_space<semaphore_mem>>) {add = true}
          %dma_wait3A_175 = arith.constant 0 : i32
          %dma_wait3A_176 = tpu.memref_slice %arg9[%run_scoped3A_160, %dma_wait3A_175] : memref<1x80xi32, #tpu.memory_space<vmem>> -> memref<1x80xi32, #tpu.memory_space<vmem>>
          %dma_wait3A_177 = tpu.memref_squeeze %dma_wait3A_176 : memref<1x80xi32, #tpu.memory_space<vmem>> -> memref<80xi32, #tpu.memory_space<vmem>>
          %dma_wait3A_178 = arith.constant 0 : i32
          %dma_wait3A_179 = arith.constant 0 : i32
          %dma_wait3A_180 = tpu.memref_slice %arg13[%dma_wait3A_178, %dma_wait3A_179] : memref<10240x128xf32, #tpu.memory_space<vmem_shared>> -> memref<10240x128xf32, #tpu.memory_space<vmem_shared>>
          tpu.wait_indirect_dma semaphore(%run_scoped3A_168 : memref<!tpu.dma_semaphore, #tpu.memory_space<semaphore_mem>>) src(%arg11 : memref<80x128xf32, #tpu.memory_space<vmem>>) dst(%dma_wait3A_180 : memref<10240x128xf32, #tpu.memory_space<vmem_shared>>)
          tpu.yield
        }) : () -> ()
        %add3A_161 = arith.constant 3 : i32
        %add3A_162 = arith.addi %add3A_120, %add3A_161 : i32
        %lt3A_163 = arith.constant 125 : i32
        %lt3A_164 = arith.cmpi slt, %add3A_162, %lt3A_163 : i32
        %convert_element_type3A_165 = arith.extui %lt3A_164 : i1 to i32
        %cond3A_166 = arith.constant 0 : i32
        %cond3A_167 = arith.cmpi ne, %convert_element_type3A_165, %cond3A_166 : i32
        scf.if %cond3A_167 {
          %add3A_168 = arith.addi %mul3A_2, %add3A_120 : i32
          %add3A_169 = arith.constant 3 : i32
          %add3A_170 = arith.addi %add3A_168, %add3A_169 : i32
          %dma_start3A_171 = arith.constant 0 : i32
          %dma_start3A_172 = arith.constant 0 : i32
          %dma_start3A_173 = arith.constant 0 : i32
          %dma_start3A_174 = tpu.memref_slice %arg8[%dma_start3A_172, %dma_start3A_173] : memref<1x80xi32, #tpu.memory_space<vmem>> -> memref<1x80xi32, #tpu.memory_space<vmem>>
          %dma_start3A_175 = tpu.memref_squeeze %dma_start3A_174 : memref<1x80xi32, #tpu.memory_space<vmem>> -> memref<80xi32, #tpu.memory_space<vmem>>
          %dma_start3A_176 = arith.constant 0 : i32
          %dma_start3A_177 = tpu.memref_slice %arg3[%add3A_170, %dma_start3A_171, %dma_start3A_176] : memref<4000x1x80xi32, #tpu.memory_space<hbm>> -> memref<1x1x80xi32, #tpu.memory_space<hbm>>
          %dma_start3A_178 = tpu.memref_squeeze %dma_start3A_177 : memref<1x1x80xi32, #tpu.memory_space<hbm>> -> memref<80xi32, #tpu.memory_space<hbm>>
          %dma_start3A_179 = arith.constant 0 : i32
          %dma_start3A_180 = tpu.memref_slice %arg8[%dma_start3A_172, %dma_start3A_179] : memref<1x80xi32, #tpu.memory_space<vmem>> -> memref<1x80xi32, #tpu.memory_space<vmem>>
          %dma_start3A_181 = tpu.memref_squeeze %dma_start3A_180 : memref<1x80xi32, #tpu.memory_space<vmem>> -> memref<80xi32, #tpu.memory_space<vmem>>
          %dma_start3A_182 = arith.constant 0 : i32
          %dma_start3A_183 = tpu.memref_slice %arg3[%add3A_170, %dma_start3A_171, %dma_start3A_182] : memref<4000x1x80xi32, #tpu.memory_space<hbm>> -> memref<1x1x80xi32, #tpu.memory_space<hbm>>
          %dma_start3A_184 = tpu.memref_squeeze %dma_start3A_183 : memref<1x1x80xi32, #tpu.memory_space<hbm>> -> memref<80xi32, #tpu.memory_space<hbm>>
          tpu.enqueue_dma source(%dma_start3A_184 : memref<80xi32, #tpu.memory_space<hbm>>) target(%dma_start3A_181 : memref<80xi32, #tpu.memory_space<vmem>>) target_semaphore(%arg17 : memref<!tpu.dma_semaphore, #tpu.memory_space<semaphore_mem>>)
          %add3A_185 = arith.addi %mul3A_2, %add3A_120 : i32
          %add3A_186 = arith.constant 3 : i32
          %add3A_187 = arith.addi %add3A_185, %add3A_186 : i32
          %dma_start3A_188 = arith.constant 0 : i32
          %dma_start3A_189 = arith.constant 0 : i32
          %dma_start3A_190 = arith.constant 0 : i32
          %dma_start3A_191 = tpu.memref_slice %arg9[%dma_start3A_189, %dma_start3A_190] : memref<1x80xi32, #tpu.memory_space<vmem>> -> memref<1x80xi32, #tpu.memory_space<vmem>>
          %dma_start3A_192 = tpu.memref_squeeze %dma_start3A_191 : memref<1x80xi32, #tpu.memory_space<vmem>> -> memref<80xi32, #tpu.memory_space<vmem>>
          %dma_start3A_193 = arith.constant 0 : i32
          %dma_start3A_194 = tpu.memref_slice %arg4[%add3A_187, %dma_start3A_188, %dma_start3A_193] : memref<4000x1x80xi32, #tpu.memory_space<hbm>> -> memref<1x1x80xi32, #tpu.memory_space<hbm>>
          %dma_start3A_195 = tpu.memref_squeeze %dma_start3A_194 : memref<1x1x80xi32, #tpu.memory_space<hbm>> -> memref<80xi32, #tpu.memory_space<hbm>>
          %dma_start3A_196 = arith.constant 0 : i32
          %dma_start3A_197 = tpu.memref_slice %arg9[%dma_start3A_189, %dma_start3A_196] : memref<1x80xi32, #tpu.memory_space<vmem>> -> memref<1x80xi32, #tpu.memory_space<vmem>>
          %dma_start3A_198 = tpu.memref_squeeze %dma_start3A_197 : memref<1x80xi32, #tpu.memory_space<vmem>> -> memref<80xi32, #tpu.memory_space<vmem>>
          %dma_start3A_199 = arith.constant 0 : i32
          %dma_start3A_200 = tpu.memref_slice %arg4[%add3A_187, %dma_start3A_188, %dma_start3A_199] : memref<4000x1x80xi32, #tpu.memory_space<hbm>> -> memref<1x1x80xi32, #tpu.memory_space<hbm>>
          %dma_start3A_201 = tpu.memref_squeeze %dma_start3A_200 : memref<1x1x80xi32, #tpu.memory_space<hbm>> -> memref<80xi32, #tpu.memory_space<hbm>>
          tpu.enqueue_dma source(%dma_start3A_201 : memref<80xi32, #tpu.memory_space<hbm>>) target(%dma_start3A_198 : memref<80xi32, #tpu.memory_space<vmem>>) target_semaphore(%arg17 : memref<!tpu.dma_semaphore, #tpu.memory_space<semaphore_mem>>)
        } else {
        }
      } else {
      }
    }
    %scan3A_110 = arith.constant 63 : i32
    %barrier3A_111 = arith.constant 0 : index
    tpu.barrier barrier_id(%barrier3A_111)
    %mul3A_112 = arith.constant 640 : i32
    %mul3A_113 = arith.muli %arg1, %mul3A_112 : i32
    %mul3A_114 = arith.constant 640 : i32
    %mul3A_115 = arith.muli %arg1, %mul3A_114 : i32
    "tpu.region"() ({
      %run_scoped3A = tpu.sem_alloc : memref<!tpu.dma_semaphore, #tpu.memory_space<semaphore_mem>>
      %dma_start3A_116 = arith.constant 0 : i32
      %dma_start3A_117 = tpu.memref_slice %arg5[%arg0, %mul3A_115, %dma_start3A_116] : memref<2x10240x128xf32, #tpu.memory_space<hbm>> -> memref<1x640x128xf32, #tpu.memory_space<hbm>>
      %dma_start3A_118 = tpu.memref_squeeze %dma_start3A_117 : memref<1x640x128xf32, #tpu.memory_space<hbm>> -> memref<640x128xf32, #tpu.memory_space<hbm>>
      %dma_start3A_119 = arith.constant 0 : i32
      %dma_start3A_120 = tpu.memref_slice %arg13[%mul3A_113, %dma_start3A_119] : memref<10240x128xf32, #tpu.memory_space<vmem_shared>> -> memref<640x128xf32, #tpu.memory_space<vmem_shared>>
      tpu.enqueue_dma source(%dma_start3A_120 : memref<640x128xf32, #tpu.memory_space<vmem_shared>>) target(%dma_start3A_118 : memref<640x128xf32, #tpu.memory_space<hbm>>) target_semaphore(%run_scoped3A : memref<!tpu.dma_semaphore, #tpu.memory_space<semaphore_mem>>)
      %dma_wait3A_121 = arith.constant 0 : i32
      %dma_wait3A_122 = tpu.memref_slice %arg5[%arg0, %mul3A_115, %dma_wait3A_121] : memref<2x10240x128xf32, #tpu.memory_space<hbm>> -> memref<1x640x128xf32, #tpu.memory_space<hbm>>
      %dma_wait3A_123 = tpu.memref_squeeze %dma_wait3A_122 : memref<1x640x128xf32, #tpu.memory_space<hbm>> -> memref<640x128xf32, #tpu.memory_space<hbm>>
      %dma_wait3A_124 = arith.constant 0 : i32
      %dma_wait3A_125 = tpu.memref_slice %arg13[%mul3A_113, %dma_wait3A_124] : memref<10240x128xf32, #tpu.memory_space<vmem_shared>> -> memref<640x128xf32, #tpu.memory_space<vmem_shared>>
      tpu.wait_dma2 semaphore(%run_scoped3A : memref<!tpu.dma_semaphore, #tpu.memory_space<semaphore_mem>>) src(%dma_wait3A_125 : memref<640x128xf32, #tpu.memory_space<vmem_shared>>) dst(%dma_wait3A_123 : memref<640x128xf32, #tpu.memory_space<hbm>>)
      tpu.yield
    }) : () -> ()
    return
  }
}

#map = affine_map<(d0, d1) -> (0, 0, 0)>
module attributes {stable_mosaic.version = 14 : i64} {
  func.func @_hist(%arg0: i32, %arg1: i32, %arg2: memref<32x1x10000xi32, #tpu.memory_space<hbm>>, %arg3: memref<32x1x10000xi32, #tpu.memory_space<hbm>>, %arg4: memref<32x1x10000xf32, #tpu.memory_space<hbm>>, %arg5: memref<32x1x10000xf32, #tpu.memory_space<hbm>>, %arg6: memref<10000xi32, #tpu.memory_space<vmem>>, %arg7: memref<10000xf32, #tpu.memory_space<vmem>>) attributes {dimension_semantics = [#tpu.dimension_semantics<core_parallel>, #tpu.dimension_semantics<subcore_parallel>], iteration_bounds = array<i64: 2, 16>, scalar_prefetch = 0 : i64, scratch_operands = 2 : i64, tpu.core_type = #tpu.core_type<sc_vector_subcore>, window_params = [{transform_indices = #map}, {transform_indices = #map}, {transform_indices = #map}, {transform_indices = #map}]} {
    %mul3A = arith.constant 2 : i32
    %mul3A_0 = arith.muli %arg1, %mul3A : i32
    %add3A = arith.addi %mul3A_0, %arg0 : i32
    %broadcast_in_dim3A = arith.constant 1.000000e+00 : f32
    %broadcast_in_dim3A_1 = vector.broadcast %broadcast_in_dim3A : f32 to vector<16xf32>
    %broadcast_in_dim3A_2 = arith.constant 0.000000e+00 : f32
    %broadcast_in_dim3A_3 = vector.broadcast %broadcast_in_dim3A_2 : f32 to vector<16xf32>
    %scan3A = arith.constant 0 : i32
    %scan3A_4 = arith.constant 625 : i32
    %scan3A_5 = arith.addi %scan3A, %scan3A_4 : i32
    %scan3A_6 = arith.constant 1 : i32
    scf.for %scan3A_26 = %scan3A to %scan3A_5 step %scan3A_6  : i32 {
      %mul3A_27 = arith.constant 16 : i32
      %mul3A_28 = arith.muli %scan3A_26, %mul3A_27 : i32
      %add3A_29 = arith.constant 0 : i32
      %add3A_30 = arith.addi %add3A_29, %mul3A_28 : i32
      %swap3A = arith.index_cast %add3A_30 : i32 to index
      %swap3A_31 = tpu.vector_load %arg7[%swap3A] {strides = array<i32>} : memref<10000xf32, #tpu.memory_space<vmem>>, vector<16xf32>,
      tpu.vector_store %arg7[%swap3A], %broadcast_in_dim3A_3 {strides = array<i32>} : memref<10000xf32, #tpu.memory_space<vmem>>, vector<16xf32>,
    }
    %scan3A_7 = arith.constant 625 : i32
    %run_scoped3A = arith.constant 0 : i32
    "tpu.region"() ({
      %run_scoped3A_26 = tpu.sem_alloc : memref<!tpu.dma_semaphore, #tpu.memory_space<semaphore_mem>>
      %dma_start3A = arith.constant 0 : i32
      %dma_start3A_27 = tpu.memref_slice %arg2[%add3A, %run_scoped3A, %dma_start3A] : memref<32x1x10000xi32, #tpu.memory_space<hbm>> -> memref<1x1x10000xi32, #tpu.memory_space<hbm>>
      %dma_start3A_28 = tpu.memref_squeeze %dma_start3A_27 : memref<1x1x10000xi32, #tpu.memory_space<hbm>> -> memref<10000xi32, #tpu.memory_space<hbm>>
      %dma_start3A_29 = arith.constant 0 : i32
      %dma_start3A_30 = tpu.memref_slice %arg2[%add3A, %run_scoped3A, %dma_start3A_29] : memref<32x1x10000xi32, #tpu.memory_space<hbm>> -> memref<1x1x10000xi32, #tpu.memory_space<hbm>>
      %dma_start3A_31 = tpu.memref_squeeze %dma_start3A_30 : memref<1x1x10000xi32, #tpu.memory_space<hbm>> -> memref<10000xi32, #tpu.memory_space<hbm>>
      tpu.enqueue_dma source(%dma_start3A_31 : memref<10000xi32, #tpu.memory_space<hbm>>) target(%arg6 : memref<10000xi32, #tpu.memory_space<vmem>>) target_semaphore(%run_scoped3A_26 : memref<!tpu.dma_semaphore, #tpu.memory_space<semaphore_mem>>)
      %dma_wait3A = arith.constant 0 : i32
      %dma_wait3A_32 = tpu.memref_slice %arg2[%add3A, %run_scoped3A, %dma_wait3A] : memref<32x1x10000xi32, #tpu.memory_space<hbm>> -> memref<1x1x10000xi32, #tpu.memory_space<hbm>>
      %dma_wait3A_33 = tpu.memref_squeeze %dma_wait3A_32 : memref<1x1x10000xi32, #tpu.memory_space<hbm>> -> memref<10000xi32, #tpu.memory_space<hbm>>
      %dma_wait3A_34 = arith.constant 0 : i32
      %dma_wait3A_35 = tpu.memref_slice %arg2[%add3A, %run_scoped3A, %dma_wait3A_34] : memref<32x1x10000xi32, #tpu.memory_space<hbm>> -> memref<1x1x10000xi32, #tpu.memory_space<hbm>>
      %dma_wait3A_36 = tpu.memref_squeeze %dma_wait3A_35 : memref<1x1x10000xi32, #tpu.memory_space<hbm>> -> memref<10000xi32, #tpu.memory_space<hbm>>
      tpu.wait_dma2 semaphore(%run_scoped3A_26 : memref<!tpu.dma_semaphore, #tpu.memory_space<semaphore_mem>>) src(%dma_wait3A_36 : memref<10000xi32, #tpu.memory_space<hbm>>) dst(%arg6 : memref<10000xi32, #tpu.memory_space<vmem>>)
      tpu.yield
    }) : () -> ()
    %scan3A_8 = arith.constant 0 : i32
    %scan3A_9 = arith.constant 625 : i32
    %scan3A_10 = arith.addi %scan3A_8, %scan3A_9 : i32
    %scan3A_11 = arith.constant 1 : i32
    scf.for %scan3A_26 = %scan3A_8 to %scan3A_10 step %scan3A_11  : i32 {
      %mul3A_27 = arith.constant 16 : i32
      %mul3A_28 = arith.muli %scan3A_26, %mul3A_27 : i32
      %add3A_29 = arith.constant 0 : i32
      %add3A_30 = arith.addi %add3A_29, %mul3A_28 : i32
      %get3A = arith.index_cast %add3A_30 : i32 to index
      %get3A_31 = tpu.vector_load %arg6[%get3A] {strides = array<i32>} : memref<10000xi32, #tpu.memory_space<vmem>>, vector<16xi32>,
      tpu.vector_store_idx %arg7[%get3A_31], %broadcast_in_dim3A_1 {add = true} : memref<10000xf32, #tpu.memory_space<vmem>>[vector<16xi32>], vector<16xf32>,
    }
    %scan3A_12 = arith.constant 625 : i32
    %run_scoped3A_13 = arith.constant 0 : i32
    "tpu.region"() ({
      %run_scoped3A_26 = tpu.sem_alloc : memref<!tpu.dma_semaphore, #tpu.memory_space<semaphore_mem>>
      %dma_start3A = arith.constant 0 : i32
      %dma_start3A_27 = tpu.memref_slice %arg4[%add3A, %run_scoped3A_13, %dma_start3A] : memref<32x1x10000xf32, #tpu.memory_space<hbm>> -> memref<1x1x10000xf32, #tpu.memory_space<hbm>>
      %dma_start3A_28 = tpu.memref_squeeze %dma_start3A_27 : memref<1x1x10000xf32, #tpu.memory_space<hbm>> -> memref<10000xf32, #tpu.memory_space<hbm>>
      %dma_start3A_29 = arith.constant 0 : i32
      %dma_start3A_30 = tpu.memref_slice %arg4[%add3A, %run_scoped3A_13, %dma_start3A_29] : memref<32x1x10000xf32, #tpu.memory_space<hbm>> -> memref<1x1x10000xf32, #tpu.memory_space<hbm>>
      %dma_start3A_31 = tpu.memref_squeeze %dma_start3A_30 : memref<1x1x10000xf32, #tpu.memory_space<hbm>> -> memref<10000xf32, #tpu.memory_space<hbm>>
      tpu.enqueue_dma source(%arg7 : memref<10000xf32, #tpu.memory_space<vmem>>) target(%dma_start3A_31 : memref<10000xf32, #tpu.memory_space<hbm>>) target_semaphore(%run_scoped3A_26 : memref<!tpu.dma_semaphore, #tpu.memory_space<semaphore_mem>>)
      %dma_wait3A = arith.constant 0 : i32
      %dma_wait3A_32 = tpu.memref_slice %arg4[%add3A, %run_scoped3A_13, %dma_wait3A] : memref<32x1x10000xf32, #tpu.memory_space<hbm>> -> memref<1x1x10000xf32, #tpu.memory_space<hbm>>
      %dma_wait3A_33 = tpu.memref_squeeze %dma_wait3A_32 : memref<1x1x10000xf32, #tpu.memory_space<hbm>> -> memref<10000xf32, #tpu.memory_space<hbm>>
      %dma_wait3A_34 = arith.constant 0 : i32
      %dma_wait3A_35 = tpu.memref_slice %arg4[%add3A, %run_scoped3A_13, %dma_wait3A_34] : memref<32x1x10000xf32, #tpu.memory_space<hbm>> -> memref<1x1x10000xf32, #tpu.memory_space<hbm>>
      %dma_wait3A_36 = tpu.memref_squeeze %dma_wait3A_35 : memref<1x1x10000xf32, #tpu.memory_space<hbm>> -> memref<10000xf32, #tpu.memory_space<hbm>>
      tpu.wait_dma2 semaphore(%run_scoped3A_26 : memref<!tpu.dma_semaphore, #tpu.memory_space<semaphore_mem>>) src(%arg7 : memref<10000xf32, #tpu.memory_space<vmem>>) dst(%dma_wait3A_36 : memref<10000xf32, #tpu.memory_space<hbm>>)
      tpu.yield
    }) : () -> ()
    %scan3A_14 = arith.constant 0 : i32
    %scan3A_15 = arith.constant 625 : i32
    %scan3A_16 = arith.addi %scan3A_14, %scan3A_15 : i32
    %scan3A_17 = arith.constant 1 : i32
    scf.for %scan3A_26 = %scan3A_14 to %scan3A_16 step %scan3A_17  : i32 {
      %mul3A_27 = arith.constant 16 : i32
      %mul3A_28 = arith.muli %scan3A_26, %mul3A_27 : i32
      %add3A_29 = arith.constant 0 : i32
      %add3A_30 = arith.addi %add3A_29, %mul3A_28 : i32
      %swap3A = arith.index_cast %add3A_30 : i32 to index
      %swap3A_31 = tpu.vector_load %arg7[%swap3A] {strides = array<i32>} : memref<10000xf32, #tpu.memory_space<vmem>>, vector<16xf32>,
      tpu.vector_store %arg7[%swap3A], %broadcast_in_dim3A_3 {strides = array<i32>} : memref<10000xf32, #tpu.memory_space<vmem>>, vector<16xf32>,
    }
    %scan3A_18 = arith.constant 625 : i32
    %run_scoped3A_19 = arith.constant 0 : i32
    "tpu.region"() ({
      %run_scoped3A_26 = tpu.sem_alloc : memref<!tpu.dma_semaphore, #tpu.memory_space<semaphore_mem>>
      %dma_start3A = arith.constant 0 : i32
      %dma_start3A_27 = tpu.memref_slice %arg3[%add3A, %run_scoped3A_19, %dma_start3A] : memref<32x1x10000xi32, #tpu.memory_space<hbm>> -> memref<1x1x10000xi32, #tpu.memory_space<hbm>>
      %dma_start3A_28 = tpu.memref_squeeze %dma_start3A_27 : memref<1x1x10000xi32, #tpu.memory_space<hbm>> -> memref<10000xi32, #tpu.memory_space<hbm>>
      %dma_start3A_29 = arith.constant 0 : i32
      %dma_start3A_30 = tpu.memref_slice %arg3[%add3A, %run_scoped3A_19, %dma_start3A_29] : memref<32x1x10000xi32, #tpu.memory_space<hbm>> -> memref<1x1x10000xi32, #tpu.memory_space<hbm>>
      %dma_start3A_31 = tpu.memref_squeeze %dma_start3A_30 : memref<1x1x10000xi32, #tpu.memory_space<hbm>> -> memref<10000xi32, #tpu.memory_space<hbm>>
      tpu.enqueue_dma source(%dma_start3A_31 : memref<10000xi32, #tpu.memory_space<hbm>>) target(%arg6 : memref<10000xi32, #tpu.memory_space<vmem>>) target_semaphore(%run_scoped3A_26 : memref<!tpu.dma_semaphore, #tpu.memory_space<semaphore_mem>>)
      %dma_wait3A = arith.constant 0 : i32
      %dma_wait3A_32 = tpu.memref_slice %arg3[%add3A, %run_scoped3A_19, %dma_wait3A] : memref<32x1x10000xi32, #tpu.memory_space<hbm>> -> memref<1x1x10000xi32, #tpu.memory_space<hbm>>
      %dma_wait3A_33 = tpu.memref_squeeze %dma_wait3A_32 : memref<1x1x10000xi32, #tpu.memory_space<hbm>> -> memref<10000xi32, #tpu.memory_space<hbm>>
      %dma_wait3A_34 = arith.constant 0 : i32
      %dma_wait3A_35 = tpu.memref_slice %arg3[%add3A, %run_scoped3A_19, %dma_wait3A_34] : memref<32x1x10000xi32, #tpu.memory_space<hbm>> -> memref<1x1x10000xi32, #tpu.memory_space<hbm>>
      %dma_wait3A_36 = tpu.memref_squeeze %dma_wait3A_35 : memref<1x1x10000xi32, #tpu.memory_space<hbm>> -> memref<10000xi32, #tpu.memory_space<hbm>>
      tpu.wait_dma2 semaphore(%run_scoped3A_26 : memref<!tpu.dma_semaphore, #tpu.memory_space<semaphore_mem>>) src(%dma_wait3A_36 : memref<10000xi32, #tpu.memory_space<hbm>>) dst(%arg6 : memref<10000xi32, #tpu.memory_space<vmem>>)
      tpu.yield
    }) : () -> ()
    %scan3A_20 = arith.constant 0 : i32
    %scan3A_21 = arith.constant 625 : i32
    %scan3A_22 = arith.addi %scan3A_20, %scan3A_21 : i32
    %scan3A_23 = arith.constant 1 : i32
    scf.for %scan3A_26 = %scan3A_20 to %scan3A_22 step %scan3A_23  : i32 {
      %mul3A_27 = arith.constant 16 : i32
      %mul3A_28 = arith.muli %scan3A_26, %mul3A_27 : i32
      %add3A_29 = arith.constant 0 : i32
      %add3A_30 = arith.addi %add3A_29, %mul3A_28 : i32
      %get3A = arith.index_cast %add3A_30 : i32 to index
      %get3A_31 = tpu.vector_load %arg6[%get3A] {strides = array<i32>} : memref<10000xi32, #tpu.memory_space<vmem>>, vector<16xi32>,
      tpu.vector_store_idx %arg7[%get3A_31], %broadcast_in_dim3A_1 {add = true} : memref<10000xf32, #tpu.memory_space<vmem>>[vector<16xi32>], vector<16xf32>,
    }
    %scan3A_24 = arith.constant 625 : i32
    %run_scoped3A_25 = arith.constant 0 : i32
    "tpu.region"() ({
      %run_scoped3A_26 = tpu.sem_alloc : memref<!tpu.dma_semaphore, #tpu.memory_space<semaphore_mem>>
      %dma_start3A = arith.constant 0 : i32
      %dma_start3A_27 = tpu.memref_slice %arg5[%add3A, %run_scoped3A_25, %dma_start3A] : memref<32x1x10000xf32, #tpu.memory_space<hbm>> -> memref<1x1x10000xf32, #tpu.memory_space<hbm>>
      %dma_start3A_28 = tpu.memref_squeeze %dma_start3A_27 : memref<1x1x10000xf32, #tpu.memory_space<hbm>> -> memref<10000xf32, #tpu.memory_space<hbm>>
      %dma_start3A_29 = arith.constant 0 : i32
      %dma_start3A_30 = tpu.memref_slice %arg5[%add3A, %run_scoped3A_25, %dma_start3A_29] : memref<32x1x10000xf32, #tpu.memory_space<hbm>> -> memref<1x1x10000xf32, #tpu.memory_space<hbm>>
      %dma_start3A_31 = tpu.memref_squeeze %dma_start3A_30 : memref<1x1x10000xf32, #tpu.memory_space<hbm>> -> memref<10000xf32, #tpu.memory_space<hbm>>
      tpu.enqueue_dma source(%arg7 : memref<10000xf32, #tpu.memory_space<vmem>>) target(%dma_start3A_31 : memref<10000xf32, #tpu.memory_space<hbm>>) target_semaphore(%run_scoped3A_26 : memref<!tpu.dma_semaphore, #tpu.memory_space<semaphore_mem>>)
      %dma_wait3A = arith.constant 0 : i32
      %dma_wait3A_32 = tpu.memref_slice %arg5[%add3A, %run_scoped3A_25, %dma_wait3A] : memref<32x1x10000xf32, #tpu.memory_space<hbm>> -> memref<1x1x10000xf32, #tpu.memory_space<hbm>>
      %dma_wait3A_33 = tpu.memref_squeeze %dma_wait3A_32 : memref<1x1x10000xf32, #tpu.memory_space<hbm>> -> memref<10000xf32, #tpu.memory_space<hbm>>
      %dma_wait3A_34 = arith.constant 0 : i32
      %dma_wait3A_35 = tpu.memref_slice %arg5[%add3A, %run_scoped3A_25, %dma_wait3A_34] : memref<32x1x10000xf32, #tpu.memory_space<hbm>> -> memref<1x1x10000xf32, #tpu.memory_space<hbm>>
      %dma_wait3A_36 = tpu.memref_squeeze %dma_wait3A_35 : memref<1x1x10000xf32, #tpu.memory_space<hbm>> -> memref<10000xf32, #tpu.memory_space<hbm>>
      tpu.wait_dma2 semaphore(%run_scoped3A_26 : memref<!tpu.dma_semaphore, #tpu.memory_space<semaphore_mem>>) src(%arg7 : memref<10000xf32, #tpu.memory_space<vmem>>) dst(%dma_wait3A_36 : memref<10000xf32, #tpu.memory_space<hbm>>)
      tpu.yield
    }) : () -> ()
    return
  }
}

#map = affine_map<(d0, d1) -> (0, 0)>
#map1 = affine_map<(d0, d1) -> (0, 0, 0)>
module attributes {stable_mosaic.version = 14 : i64} {
  func.func @_segpass(%arg0: i32, %arg1: i32, %arg2: memref<10000x128xf32, #tpu.memory_space<hbm>>, %arg3: memref<4000x1x80xi32, #tpu.memory_space<hbm>>, %arg4: memref<4000x1x80xi32, #tpu.memory_space<hbm>>, %arg5: memref<2x10240x128xf32, #tpu.memory_space<hbm>>, %arg6: memref<1x80xi32, #tpu.memory_space<vmem>>, %arg7: memref<1x80xi32, #tpu.memory_space<vmem>>, %arg8: memref<1x80xi32, #tpu.memory_space<vmem>>, %arg9: memref<1x80xi32, #tpu.memory_space<vmem>>, %arg10: memref<80x128xf32, #tpu.memory_space<vmem>>, %arg11: memref<80x128xf32, #tpu.memory_space<vmem>>, %arg12: memref<128x128xf32, #tpu.memory_space<vmem>>, %arg13: memref<10240x128xf32, #tpu.memory_space<vmem_shared>>, %arg14: memref<!tpu.dma_semaphore, #tpu.memory_space<semaphore_mem>>, %arg15: memref<!tpu.dma_semaphore, #tpu.memory_space<semaphore_mem>>, %arg16: memref<!tpu.dma_semaphore, #tpu.memory_space<semaphore_mem>>, %arg17: memref<!tpu.dma_semaphore, #tpu.memory_space<semaphore_mem>>) attributes {dimension_semantics = [#tpu.dimension_semantics<core_parallel>, #tpu.dimension_semantics<subcore_parallel>], iteration_bounds = array<i64: 2, 16>, scalar_prefetch = 0 : i64, scratch_operands = 12 : i64, tpu.core_type = #tpu.core_type<sc_vector_subcore>, window_params = [{transform_indices = #map}, {transform_indices = #map1}, {transform_indices = #map1}, {transform_indices = #map1}]} {
    %mul3A = arith.constant 2 : i32
    %mul3A_0 = arith.muli %arg1, %mul3A : i32
    %add3A = arith.addi %mul3A_0, %arg0 : i32
    %mul3A_1 = arith.constant 125 : i32
    %mul3A_2 = arith.muli %add3A, %mul3A_1 : i32
    %broadcast_in_dim3A = arith.constant 0.000000e+00 : f32
    %broadcast_in_dim3A_3 = vector.broadcast %broadcast_in_dim3A : f32 to vector<16xf32>
    %scan3A = arith.constant 0 : i32
    %scan3A_4 = arith.constant 128 : i32
    %scan3A_5 = arith.addi %scan3A, %scan3A_4 : i32
    %scan3A_6 = arith.constant 1 : i32
    scf.for %scan3A_116 = %scan3A to %scan3A_5 step %scan3A_6  : i32 {
      %mul3A_117 = arith.constant 1 : i32
      %mul3A_118 = arith.muli %scan3A_116, %mul3A_117 : i32
      %add3A_119 = arith.constant 0 : i32
      %add3A_120 = arith.addi %add3A_119, %mul3A_118 : i32
      %scan3A_121 = arith.constant 0 : i32
      %scan3A_122 = arith.constant 8 : i32
      %scan3A_123 = arith.addi %scan3A_121, %scan3A_122 : i32
      %scan3A_124 = arith.constant 1 : i32
      scf.for %scan3A_126 = %scan3A_121 to %scan3A_123 step %scan3A_124  : i32 {
        %mul3A_127 = arith.constant 16 : i32
        %mul3A_128 = arith.muli %scan3A_126, %mul3A_127 : i32
        %add3A_129 = arith.constant 0 : i32
        %add3A_130 = arith.addi %add3A_129, %mul3A_128 : i32
        %swap3A = arith.index_cast %add3A_120 : i32 to index
        %swap3A_131 = arith.index_cast %add3A_130 : i32 to index
        %swap3A_132 = tpu.vector_load %arg12[%swap3A, %swap3A_131] {strides = array<i32>} : memref<128x128xf32, #tpu.memory_space<vmem>>, vector<16xf32>,
        tpu.vector_store %arg12[%swap3A, %swap3A_131], %broadcast_in_dim3A_3 {strides = array<i32>} : memref<128x128xf32, #tpu.memory_space<vmem>>, vector<16xf32>,
      }
      %scan3A_125 = arith.constant 8 : i32
    }
    %scan3A_7 = arith.constant 128 : i32
    %scan3A_8 = arith.constant 0 : i32
    %scan3A_9 = arith.constant 5 : i32
    %scan3A_10 = arith.addi %scan3A_8, %scan3A_9 : i32
    %scan3A_11 = arith.constant 1 : i32
    scf.for %scan3A_116 = %scan3A_8 to %scan3A_10 step %scan3A_11  : i32 {
      %mul3A_117 = arith.constant 1 : i32
      %mul3A_118 = arith.muli %scan3A_116, %mul3A_117 : i32
      %add3A_119 = arith.constant 0 : i32
      %add3A_120 = arith.addi %add3A_119, %mul3A_118 : i32
      %mul3A_121 = arith.constant 640 : i32
      %mul3A_122 = arith.muli %arg1, %mul3A_121 : i32
      %mul3A_123 = arith.constant 128 : i32
      %mul3A_124 = arith.muli %add3A_120, %mul3A_123 : i32
      %add3A_125 = arith.addi %mul3A_122, %mul3A_124 : i32
      "tpu.region"() ({
        %run_scoped3A = tpu.sem_alloc : memref<!tpu.dma_semaphore, #tpu.memory_space<semaphore_mem>>
        %dma_start3A_126 = arith.constant 0 : i32
        %dma_start3A_127 = tpu.memref_slice %arg13[%add3A_125, %dma_start3A_126] : memref<10240x128xf32, #tpu.memory_space<vmem_shared>> -> memref<128x128xf32, #tpu.memory_space<vmem_shared>>
        %dma_start3A_128 = arith.constant 0 : i32
        %dma_start3A_129 = tpu.memref_slice %arg13[%add3A_125, %dma_start3A_128] : memref<10240x128xf32, #tpu.memory_space<vmem_shared>> -> memref<128x128xf32, #tpu.memory_space<vmem_shared>>
        tpu.enqueue_dma source(%arg12 : memref<128x128xf32, #tpu.memory_space<vmem>>) target(%dma_start3A_129 : memref<128x128xf32, #tpu.memory_space<vmem_shared>>) target_semaphore(%run_scoped3A : memref<!tpu.dma_semaphore, #tpu.memory_space<semaphore_mem>>)
        %dma_wait3A_130 = arith.constant 0 : i32
        %dma_wait3A_131 = tpu.memref_slice %arg13[%add3A_125, %dma_wait3A_130] : memref<10240x128xf32, #tpu.memory_space<vmem_shared>> -> memref<128x128xf32, #tpu.memory_space<vmem_shared>>
        %dma_wait3A_132 = arith.constant 0 : i32
        %dma_wait3A_133 = tpu.memref_slice %arg13[%add3A_125, %dma_wait3A_132] : memref<10240x128xf32, #tpu.memory_space<vmem_shared>> -> memref<128x128xf32, #tpu.memory_space<vmem_shared>>
        tpu.wait_dma2 semaphore(%run_scoped3A : memref<!tpu.dma_semaphore, #tpu.memory_space<semaphore_mem>>) src(%arg12 : memref<128x128xf32, #tpu.memory_space<vmem>>) dst(%dma_wait3A_133 : memref<128x128xf32, #tpu.memory_space<vmem_shared>>)
        tpu.yield
      }) : () -> ()
    }
    %scan3A_12 = arith.constant 5 : i32
    %dma_start3A = arith.constant 0 : i32
    %dma_start3A_13 = arith.constant 0 : i32
    %dma_start3A_14 = arith.constant 0 : i32
    %dma_start3A_15 = tpu.memref_slice %arg6[%dma_start3A_13, %dma_start3A_14] : memref<1x80xi32, #tpu.memory_space<vmem>> -> memref<1x80xi32, #tpu.memory_space<vmem>>
    %dma_start3A_16 = tpu.memref_squeeze %dma_start3A_15 : memref<1x80xi32, #tpu.memory_space<vmem>> -> memref<80xi32, #tpu.memory_space<vmem>>
    %dma_start3A_17 = arith.constant 0 : i32
    %dma_start3A_18 = tpu.memref_slice %arg3[%mul3A_2, %dma_start3A, %dma_start3A_17] : memref<4000x1x80xi32, #tpu.memory_space<hbm>> -> memref<1x1x80xi32, #tpu.memory_space<hbm>>
    %dma_start3A_19 = tpu.memref_squeeze %dma_start3A_18 : memref<1x1x80xi32, #tpu.memory_space<hbm>> -> memref<80xi32, #tpu.memory_space<hbm>>
    %dma_start3A_20 = arith.constant 0 : i32
    %dma_start3A_21 = tpu.memref_slice %arg6[%dma_start3A_13, %dma_start3A_20] : memref<1x80xi32, #tpu.memory_space<vmem>> -> memref<1x80xi32, #tpu.memory_space<vmem>>
    %dma_start3A_22 = tpu.memref_squeeze %dma_start3A_21 : memref<1x80xi32, #tpu.memory_space<vmem>> -> memref<80xi32, #tpu.memory_space<vmem>>
    %dma_start3A_23 = arith.constant 0 : i32
    %dma_start3A_24 = tpu.memref_slice %arg3[%mul3A_2, %dma_start3A, %dma_start3A_23] : memref<4000x1x80xi32, #tpu.memory_space<hbm>> -> memref<1x1x80xi32, #tpu.memory_space<hbm>>
    %dma_start3A_25 = tpu.memref_squeeze %dma_start3A_24 : memref<1x1x80xi32, #tpu.memory_space<hbm>> -> memref<80xi32, #tpu.memory_space<hbm>>
    tpu.enqueue_dma source(%dma_start3A_25 : memref<80xi32, #tpu.memory_space<hbm>>) target(%dma_start3A_22 : memref<80xi32, #tpu.memory_space<vmem>>) target_semaphore(%arg16 : memref<!tpu.dma_semaphore, #tpu.memory_space<semaphore_mem>>)
    %dma_start3A_26 = arith.constant 0 : i32
    %dma_start3A_27 = arith.constant 0 : i32
    %dma_start3A_28 = arith.constant 0 : i32
    %dma_start3A_29 = tpu.memref_slice %arg7[%dma_start3A_27, %dma_start3A_28] : memref<1x80xi32, #tpu.memory_space<vmem>> -> memref<1x80xi32, #tpu.memory_space<vmem>>
    %dma_start3A_30 = tpu.memref_squeeze %dma_start3A_29 : memref<1x80xi32, #tpu.memory_space<vmem>> -> memref<80xi32, #tpu.memory_space<vmem>>
    %dma_start3A_31 = arith.constant 0 : i32
    %dma_start3A_32 = tpu.memref_slice %arg4[%mul3A_2, %dma_start3A_26, %dma_start3A_31] : memref<4000x1x80xi32, #tpu.memory_space<hbm>> -> memref<1x1x80xi32, #tpu.memory_space<hbm>>
    %dma_start3A_33 = tpu.memref_squeeze %dma_start3A_32 : memref<1x1x80xi32, #tpu.memory_space<hbm>> -> memref<80xi32, #tpu.memory_space<hbm>>
    %dma_start3A_34 = arith.constant 0 : i32
    %dma_start3A_35 = tpu.memref_slice %arg7[%dma_start3A_27, %dma_start3A_34] : memref<1x80xi32, #tpu.memory_space<vmem>> -> memref<1x80xi32, #tpu.memory_space<vmem>>
    %dma_start3A_36 = tpu.memref_squeeze %dma_start3A_35 : memref<1x80xi32, #tpu.memory_space<vmem>> -> memref<80xi32, #tpu.memory_space<vmem>>
    %dma_start3A_37 = arith.constant 0 : i32
    %dma_start3A_38 = tpu.memref_slice %arg4[%mul3A_2, %dma_start3A_26, %dma_start3A_37] : memref<4000x1x80xi32, #tpu.memory_space<hbm>> -> memref<1x1x80xi32, #tpu.memory_space<hbm>>
    %dma_start3A_39 = tpu.memref_squeeze %dma_start3A_38 : memref<1x1x80xi32, #tpu.memory_space<hbm>> -> memref<80xi32, #tpu.memory_space<hbm>>
    tpu.enqueue_dma source(%dma_start3A_39 : memref<80xi32, #tpu.memory_space<hbm>>) target(%dma_start3A_36 : memref<80xi32, #tpu.memory_space<vmem>>) target_semaphore(%arg16 : memref<!tpu.dma_semaphore, #tpu.memory_space<semaphore_mem>>)
    %add3A_40 = arith.constant 1 : i32
    %add3A_41 = arith.addi %mul3A_2, %add3A_40 : i32
    %dma_start3A_42 = arith.constant 0 : i32
    %dma_start3A_43 = arith.constant 0 : i32
    %dma_start3A_44 = arith.constant 0 : i32
    %dma_start3A_45 = tpu.memref_slice %arg8[%dma_start3A_43, %dma_start3A_44] : memref<1x80xi32, #tpu.memory_space<vmem>> -> memref<1x80xi32, #tpu.memory_space<vmem>>
    %dma_start3A_46 = tpu.memref_squeeze %dma_start3A_45 : memref<1x80xi32, #tpu.memory_space<vmem>> -> memref<80xi32, #tpu.memory_space<vmem>>
    %dma_start3A_47 = arith.constant 0 : i32
    %dma_start3A_48 = tpu.memref_slice %arg3[%add3A_41, %dma_start3A_42, %dma_start3A_47] : memref<4000x1x80xi32, #tpu.memory_space<hbm>> -> memref<1x1x80xi32, #tpu.memory_space<hbm>>
    %dma_start3A_49 = tpu.memref_squeeze %dma_start3A_48 : memref<1x1x80xi32, #tpu.memory_space<hbm>> -> memref<80xi32, #tpu.memory_space<hbm>>
    %dma_start3A_50 = arith.constant 0 : i32
    %dma_start3A_51 = tpu.memref_slice %arg8[%dma_start3A_43, %dma_start3A_50] : memref<1x80xi32, #tpu.memory_space<vmem>> -> memref<1x80xi32, #tpu.memory_space<vmem>>
    %dma_start3A_52 = tpu.memref_squeeze %dma_start3A_51 : memref<1x80xi32, #tpu.memory_space<vmem>> -> memref<80xi32, #tpu.memory_space<vmem>>
    %dma_start3A_53 = arith.constant 0 : i32
    %dma_start3A_54 = tpu.memref_slice %arg3[%add3A_41, %dma_start3A_42, %dma_start3A_53] : memref<4000x1x80xi32, #tpu.memory_space<hbm>> -> memref<1x1x80xi32, #tpu.memory_space<hbm>>
    %dma_start3A_55 = tpu.memref_squeeze %dma_start3A_54 : memref<1x1x80xi32, #tpu.memory_space<hbm>> -> memref<80xi32, #tpu.memory_space<hbm>>
    tpu.enqueue_dma source(%dma_start3A_55 : memref<80xi32, #tpu.memory_space<hbm>>) target(%dma_start3A_52 : memref<80xi32, #tpu.memory_space<vmem>>) target_semaphore(%arg17 : memref<!tpu.dma_semaphore, #tpu.memory_space<semaphore_mem>>)
    %add3A_56 = arith.constant 1 : i32
    %add3A_57 = arith.addi %mul3A_2, %add3A_56 : i32
    %dma_start3A_58 = arith.constant 0 : i32
    %dma_start3A_59 = arith.constant 0 : i32
    %dma_start3A_60 = arith.constant 0 : i32
    %dma_start3A_61 = tpu.memref_slice %arg9[%dma_start3A_59, %dma_start3A_60] : memref<1x80xi32, #tpu.memory_space<vmem>> -> memref<1x80xi32, #tpu.memory_space<vmem>>
    %dma_start3A_62 = tpu.memref_squeeze %dma_start3A_61 : memref<1x80xi32, #tpu.memory_space<vmem>> -> memref<80xi32, #tpu.memory_space<vmem>>
    %dma_start3A_63 = arith.constant 0 : i32
    %dma_start3A_64 = tpu.memref_slice %arg4[%add3A_57, %dma_start3A_58, %dma_start3A_63] : memref<4000x1x80xi32, #tpu.memory_space<hbm>> -> memref<1x1x80xi32, #tpu.memory_space<hbm>>
    %dma_start3A_65 = tpu.memref_squeeze %dma_start3A_64 : memref<1x1x80xi32, #tpu.memory_space<hbm>> -> memref<80xi32, #tpu.memory_space<hbm>>
    %dma_start3A_66 = arith.constant 0 : i32
    %dma_start3A_67 = tpu.memref_slice %arg9[%dma_start3A_59, %dma_start3A_66] : memref<1x80xi32, #tpu.memory_space<vmem>> -> memref<1x80xi32, #tpu.memory_space<vmem>>
    %dma_start3A_68 = tpu.memref_squeeze %dma_start3A_67 : memref<1x80xi32, #tpu.memory_space<vmem>> -> memref<80xi32, #tpu.memory_space<vmem>>
    %dma_start3A_69 = arith.constant 0 : i32
    %dma_start3A_70 = tpu.memref_slice %arg4[%add3A_57, %dma_start3A_58, %dma_start3A_69] : memref<4000x1x80xi32, #tpu.memory_space<hbm>> -> memref<1x1x80xi32, #tpu.memory_space<hbm>>
    %dma_start3A_71 = tpu.memref_squeeze %dma_start3A_70 : memref<1x1x80xi32, #tpu.memory_space<hbm>> -> memref<80xi32, #tpu.memory_space<hbm>>
    tpu.enqueue_dma source(%dma_start3A_71 : memref<80xi32, #tpu.memory_space<hbm>>) target(%dma_start3A_68 : memref<80xi32, #tpu.memory_space<vmem>>) target_semaphore(%arg17 : memref<!tpu.dma_semaphore, #tpu.memory_space<semaphore_mem>>)
    %barrier3A = arith.constant 0 : index
    tpu.barrier barrier_id(%barrier3A)
    %dma_wait3A = arith.constant 0 : i32
    %dma_wait3A_72 = arith.constant 0 : i32
    %dma_wait3A_73 = arith.constant 0 : i32
    %dma_wait3A_74 = tpu.memref_slice %arg6[%dma_wait3A_72, %dma_wait3A_73] : memref<1x80xi32, #tpu.memory_space<vmem>> -> memref<1x80xi32, #tpu.memory_space<vmem>>
    %dma_wait3A_75 = tpu.memref_squeeze %dma_wait3A_74 : memref<1x80xi32, #tpu.memory_space<vmem>> -> memref<80xi32, #tpu.memory_space<vmem>>
    %dma_wait3A_76 = arith.constant 0 : i32
    %dma_wait3A_77 = tpu.memref_slice %arg3[%mul3A_2, %dma_wait3A, %dma_wait3A_76] : memref<4000x1x80xi32, #tpu.memory_space<hbm>> -> memref<1x1x80xi32, #tpu.memory_space<hbm>>
    %dma_wait3A_78 = tpu.memref_squeeze %dma_wait3A_77 : memref<1x1x80xi32, #tpu.memory_space<hbm>> -> memref<80xi32, #tpu.memory_space<hbm>>
    %dma_wait3A_79 = arith.constant 0 : i32
    %dma_wait3A_80 = tpu.memref_slice %arg6[%dma_wait3A_72, %dma_wait3A_79] : memref<1x80xi32, #tpu.memory_space<vmem>> -> memref<1x80xi32, #tpu.memory_space<vmem>>
    %dma_wait3A_81 = tpu.memref_squeeze %dma_wait3A_80 : memref<1x80xi32, #tpu.memory_space<vmem>> -> memref<80xi32, #tpu.memory_space<vmem>>
    %dma_wait3A_82 = arith.constant 0 : i32
    %dma_wait3A_83 = tpu.memref_slice %arg3[%mul3A_2, %dma_wait3A, %dma_wait3A_82] : memref<4000x1x80xi32, #tpu.memory_space<hbm>> -> memref<1x1x80xi32, #tpu.memory_space<hbm>>
    %dma_wait3A_84 = tpu.memref_squeeze %dma_wait3A_83 : memref<1x1x80xi32, #tpu.memory_space<hbm>> -> memref<80xi32, #tpu.memory_space<hbm>>
    tpu.wait_dma2 semaphore(%arg16 : memref<!tpu.dma_semaphore, #tpu.memory_space<semaphore_mem>>) src(%dma_wait3A_84 : memref<80xi32, #tpu.memory_space<hbm>>) dst(%dma_wait3A_81 : memref<80xi32, #tpu.memory_space<vmem>>)
    %dma_wait3A_85 = arith.constant 0 : i32
    %dma_wait3A_86 = arith.constant 0 : i32
    %dma_wait3A_87 = arith.constant 0 : i32
    %dma_wait3A_88 = tpu.memref_slice %arg7[%dma_wait3A_86, %dma_wait3A_87] : memref<1x80xi32, #tpu.memory_space<vmem>> -> memref<1x80xi32, #tpu.memory_space<vmem>>
    %dma_wait3A_89 = tpu.memref_squeeze %dma_wait3A_88 : memref<1x80xi32, #tpu.memory_space<vmem>> -> memref<80xi32, #tpu.memory_space<vmem>>
    %dma_wait3A_90 = arith.constant 0 : i32
    %dma_wait3A_91 = tpu.memref_slice %arg4[%mul3A_2, %dma_wait3A_85, %dma_wait3A_90] : memref<4000x1x80xi32, #tpu.memory_space<hbm>> -> memref<1x1x80xi32, #tpu.memory_space<hbm>>
    %dma_wait3A_92 = tpu.memref_squeeze %dma_wait3A_91 : memref<1x1x80xi32, #tpu.memory_space<hbm>> -> memref<80xi32, #tpu.memory_space<hbm>>
    %dma_wait3A_93 = arith.constant 0 : i32
    %dma_wait3A_94 = tpu.memref_slice %arg7[%dma_wait3A_86, %dma_wait3A_93] : memref<1x80xi32, #tpu.memory_space<vmem>> -> memref<1x80xi32, #tpu.memory_space<vmem>>
    %dma_wait3A_95 = tpu.memref_squeeze %dma_wait3A_94 : memref<1x80xi32, #tpu.memory_space<vmem>> -> memref<80xi32, #tpu.memory_space<vmem>>
    %dma_wait3A_96 = arith.constant 0 : i32
    %dma_wait3A_97 = tpu.memref_slice %arg4[%mul3A_2, %dma_wait3A_85, %dma_wait3A_96] : memref<4000x1x80xi32, #tpu.memory_space<hbm>> -> memref<1x1x80xi32, #tpu.memory_space<hbm>>
    %dma_wait3A_98 = tpu.memref_squeeze %dma_wait3A_97 : memref<1x1x80xi32, #tpu.memory_space<hbm>> -> memref<80xi32, #tpu.memory_space<hbm>>
    tpu.wait_dma2 semaphore(%arg16 : memref<!tpu.dma_semaphore, #tpu.memory_space<semaphore_mem>>) src(%dma_wait3A_98 : memref<80xi32, #tpu.memory_space<hbm>>) dst(%dma_wait3A_95 : memref<80xi32, #tpu.memory_space<vmem>>)
    %dma_start3A_99 = arith.constant 0 : i32
    %dma_start3A_100 = arith.constant 0 : i32
    %dma_start3A_101 = tpu.memref_slice %arg6[%dma_start3A_99, %dma_start3A_100] : memref<1x80xi32, #tpu.memory_space<vmem>> -> memref<1x80xi32, #tpu.memory_space<vmem>>
    %dma_start3A_102 = tpu.memref_squeeze %dma_start3A_101 : memref<1x80xi32, #tpu.memory_space<vmem>> -> memref<80xi32, #tpu.memory_space<vmem>>
    %dma_start3A_103 = arith.constant 0 : i32
    %dma_start3A_104 = arith.constant 0 : i32
    %dma_start3A_105 = tpu.memref_slice %arg2[%dma_start3A_103, %dma_start3A_104] : memref<10000x128xf32, #tpu.memory_space<hbm>> -> memref<10000x128xf32, #tpu.memory_space<hbm>>
    tpu.enqueue_indirect_dma source(%dma_start3A_105 : memref<10000x128xf32, #tpu.memory_space<hbm>>) target(%arg10 : memref<80x128xf32, #tpu.memory_space<vmem>>) offsets(%dma_start3A_102 : memref<80xi32, #tpu.memory_space<vmem>>) semaphore(%arg14 : memref<!tpu.dma_semaphore, #tpu.memory_space<semaphore_mem>>)
    %scan3A_106 = arith.constant 0 : i32
    %scan3A_107 = arith.constant 63 : i32
    %scan3A_108 = arith.addi %scan3A_106, %scan3A_107 : i32
    %scan3A_109 = arith.constant 1 : i32
    scf.for %scan3A_116 = %scan3A_106 to %scan3A_108 step %scan3A_109  : i32 {
      %mul3A_117 = arith.constant 2 : i32
      %mul3A_118 = arith.muli %scan3A_116, %mul3A_117 : i32
      %add3A_119 = arith.constant 0 : i32
      %add3A_120 = arith.addi %add3A_119, %mul3A_118 : i32
      %dma_wait3A_121 = arith.constant 0 : i32
      %dma_wait3A_122 = arith.constant 0 : i32
      %dma_wait3A_123 = tpu.memref_slice %arg6[%dma_wait3A_121, %dma_wait3A_122] : memref<1x80xi32, #tpu.memory_space<vmem>> -> memref<1x80xi32, #tpu.memory_space<vmem>>
      %dma_wait3A_124 = tpu.memref_squeeze %dma_wait3A_123 : memref<1x80xi32, #tpu.memory_space<vmem>> -> memref<80xi32, #tpu.memory_space<vmem>>
      %dma_wait3A_125 = arith.constant 0 : i32
      %dma_wait3A_126 = arith.constant 0 : i32
      %dma_wait3A_127 = tpu.memref_slice %arg2[%dma_wait3A_125, %dma_wait3A_126] : memref<10000x128xf32, #tpu.memory_space<hbm>> -> memref<10000x128xf32, #tpu.memory_space<hbm>>
      tpu.wait_indirect_dma semaphore(%arg14 : memref<!tpu.dma_semaphore, #tpu.memory_space<semaphore_mem>>) src(%dma_wait3A_127 : memref<10000x128xf32, #tpu.memory_space<hbm>>) dst(%arg10 : memref<80x128xf32, #tpu.memory_space<vmem>>)
      %add3A_128 = arith.constant 1 : i32
      %add3A_129 = arith.addi %add3A_120, %add3A_128 : i32
      %lt3A = arith.constant 125 : i32
      %lt3A_130 = arith.cmpi slt, %add3A_129, %lt3A : i32
      %convert_element_type3A = arith.extui %lt3A_130 : i1 to i32
      %cond3A = arith.constant 0 : i32
      %cond3A_131 = arith.cmpi ne, %convert_element_type3A, %cond3A : i32
      scf.if %cond3A_131 {
        %dma_wait3A_146 = arith.constant 0 : i32
        %dma_wait3A_147 = arith.constant 0 : i32
        %dma_wait3A_148 = arith.constant 0 : i32
        %dma_wait3A_149 = tpu.memref_slice %arg8[%dma_wait3A_147, %dma_wait3A_148] : memref<1x80xi32, #tpu.memory_space<vmem>> -> memref<1x80xi32, #tpu.memory_space<vmem>>
        %dma_wait3A_150 = tpu.memref_squeeze %dma_wait3A_149 : memref<1x80xi32, #tpu.memory_space<vmem>> -> memref<80xi32, #tpu.memory_space<vmem>>
        %dma_wait3A_151 = arith.constant 0 : i32
        %dma_wait3A_152 = tpu.memref_slice %arg3[%mul3A_2, %dma_wait3A_146, %dma_wait3A_151] : memref<4000x1x80xi32, #tpu.memory_space<hbm>> -> memref<1x1x80xi32, #tpu.memory_space<hbm>>
        %dma_wait3A_153 = tpu.memref_squeeze %dma_wait3A_152 : memref<1x1x80xi32, #tpu.memory_space<hbm>> -> memref<80xi32, #tpu.memory_space<hbm>>
        %dma_wait3A_154 = arith.constant 0 : i32
        %dma_wait3A_155 = tpu.memref_slice %arg8[%dma_wait3A_147, %dma_wait3A_154] : memref<1x80xi32, #tpu.memory_space<vmem>> -> memref<1x80xi32, #tpu.memory_space<vmem>>
        %dma_wait3A_156 = tpu.memref_squeeze %dma_wait3A_155 : memref<1x80xi32, #tpu.memory_space<vmem>> -> memref<80xi32, #tpu.memory_space<vmem>>
        %dma_wait3A_157 = arith.constant 0 : i32
        %dma_wait3A_158 = tpu.memref_slice %arg3[%mul3A_2, %dma_wait3A_146, %dma_wait3A_157] : memref<4000x1x80xi32, #tpu.memory_space<hbm>> -> memref<1x1x80xi32, #tpu.memory_space<hbm>>
        %dma_wait3A_159 = tpu.memref_squeeze %dma_wait3A_158 : memref<1x1x80xi32, #tpu.memory_space<hbm>> -> memref<80xi32, #tpu.memory_space<hbm>>
        tpu.wait_dma2 semaphore(%arg17 : memref<!tpu.dma_semaphore, #tpu.memory_space<semaphore_mem>>) src(%dma_wait3A_159 : memref<80xi32, #tpu.memory_space<hbm>>) dst(%dma_wait3A_156 : memref<80xi32, #tpu.memory_space<vmem>>)
        %dma_wait3A_160 = arith.constant 0 : i32
        %dma_wait3A_161 = arith.constant 0 : i32
        %dma_wait3A_162 = arith.constant 0 : i32
        %dma_wait3A_163 = tpu.memref_slice %arg9[%dma_wait3A_161, %dma_wait3A_162] : memref<1x80xi32, #tpu.memory_space<vmem>> -> memref<1x80xi32, #tpu.memory_space<vmem>>
        %dma_wait3A_164 = tpu.memref_squeeze %dma_wait3A_163 : memref<1x80xi32, #tpu.memory_space<vmem>> -> memref<80xi32, #tpu.memory_space<vmem>>
        %dma_wait3A_165 = arith.constant 0 : i32
        %dma_wait3A_166 = tpu.memref_slice %arg4[%mul3A_2, %dma_wait3A_160, %dma_wait3A_165] : memref<4000x1x80xi32, #tpu.memory_space<hbm>> -> memref<1x1x80xi32, #tpu.memory_space<hbm>>
        %dma_wait3A_167 = tpu.memref_squeeze %dma_wait3A_166 : memref<1x1x80xi32, #tpu.memory_space<hbm>> -> memref<80xi32, #tpu.memory_space<hbm>>
        %dma_wait3A_168 = arith.constant 0 : i32
        %dma_wait3A_169 = tpu.memref_slice %arg9[%dma_wait3A_161, %dma_wait3A_168] : memref<1x80xi32, #tpu.memory_space<vmem>> -> memref<1x80xi32, #tpu.memory_space<vmem>>
        %dma_wait3A_170 = tpu.memref_squeeze %dma_wait3A_169 : memref<1x80xi32, #tpu.memory_space<vmem>> -> memref<80xi32, #tpu.memory_space<vmem>>
        %dma_wait3A_171 = arith.constant 0 : i32
        %dma_wait3A_172 = tpu.memref_slice %arg4[%mul3A_2, %dma_wait3A_160, %dma_wait3A_171] : memref<4000x1x80xi32, #tpu.memory_space<hbm>> -> memref<1x1x80xi32, #tpu.memory_space<hbm>>
        %dma_wait3A_173 = tpu.memref_squeeze %dma_wait3A_172 : memref<1x1x80xi32, #tpu.memory_space<hbm>> -> memref<80xi32, #tpu.memory_space<hbm>>
        tpu.wait_dma2 semaphore(%arg17 : memref<!tpu.dma_semaphore, #tpu.memory_space<semaphore_mem>>) src(%dma_wait3A_173 : memref<80xi32, #tpu.memory_space<hbm>>) dst(%dma_wait3A_170 : memref<80xi32, #tpu.memory_space<vmem>>)
        %dma_start3A_174 = arith.constant 0 : i32
        %dma_start3A_175 = arith.constant 0 : i32
        %dma_start3A_176 = tpu.memref_slice %arg8[%dma_start3A_174, %dma_start3A_175] : memref<1x80xi32, #tpu.memory_space<vmem>> -> memref<1x80xi32, #tpu.memory_space<vmem>>
        %dma_start3A_177 = tpu.memref_squeeze %dma_start3A_176 : memref<1x80xi32, #tpu.memory_space<vmem>> -> memref<80xi32, #tpu.memory_space<vmem>>
        %dma_start3A_178 = arith.constant 0 : i32
        %dma_start3A_179 = arith.constant 0 : i32
        %dma_start3A_180 = tpu.memref_slice %arg2[%dma_start3A_178, %dma_start3A_179] : memref<10000x128xf32, #tpu.memory_space<hbm>> -> memref<10000x128xf32, #tpu.memory_space<hbm>>
        tpu.enqueue_indirect_dma source(%dma_start3A_180 : memref<10000x128xf32, #tpu.memory_space<hbm>>) target(%arg11 : memref<80x128xf32, #tpu.memory_space<vmem>>) offsets(%dma_start3A_177 : memref<80xi32, #tpu.memory_space<vmem>>) semaphore(%arg15 : memref<!tpu.dma_semaphore, #tpu.memory_space<semaphore_mem>>)
      } else {
      }
      %run_scoped3A = arith.constant 0 : i32
      "tpu.region"() ({
        %run_scoped3A_146 = tpu.sem_alloc : memref<!tpu.dma_semaphore, #tpu.memory_space<semaphore_mem>>
        %dma_start3A_147 = arith.constant 0 : i32
        %dma_start3A_148 = tpu.memref_slice %arg7[%run_scoped3A, %dma_start3A_147] : memref<1x80xi32, #tpu.memory_space<vmem>> -> memref<1x80xi32, #tpu.memory_space<vmem>>
        %dma_start3A_149 = tpu.memref_squeeze %dma_start3A_148 : memref<1x80xi32, #tpu.memory_space<vmem>> -> memref<80xi32, #tpu.memory_space<vmem>>
        %dma_start3A_150 = arith.constant 0 : i32
        %dma_start3A_151 = arith.constant 0 : i32
        %dma_start3A_152 = tpu.memref_slice %arg13[%dma_start3A_150, %dma_start3A_151] : memref<10240x128xf32, #tpu.memory_space<vmem_shared>> -> memref<10240x128xf32, #tpu.memory_space<vmem_shared>>
        tpu.enqueue_indirect_dma source(%arg10 : memref<80x128xf32, #tpu.memory_space<vmem>>) target(%dma_start3A_152 : memref<10240x128xf32, #tpu.memory_space<vmem_shared>>) offsets(%dma_start3A_149 : memref<80xi32, #tpu.memory_space<vmem>>) semaphore(%run_scoped3A_146 : memref<!tpu.dma_semaphore, #tpu.memory_space<semaphore_mem>>) {add = true}
        %dma_wait3A_153 = arith.constant 0 : i32
        %dma_wait3A_154 = tpu.memref_slice %arg7[%run_scoped3A, %dma_wait3A_153] : memref<1x80xi32, #tpu.memory_space<vmem>> -> memref<1x80xi32, #tpu.memory_space<vmem>>
        %dma_wait3A_155 = tpu.memref_squeeze %dma_wait3A_154 : memref<1x80xi32, #tpu.memory_space<vmem>> -> memref<80xi32, #tpu.memory_space<vmem>>
        %dma_wait3A_156 = arith.constant 0 : i32
        %dma_wait3A_157 = arith.constant 0 : i32
        %dma_wait3A_158 = tpu.memref_slice %arg13[%dma_wait3A_156, %dma_wait3A_157] : memref<10240x128xf32, #tpu.memory_space<vmem_shared>> -> memref<10240x128xf32, #tpu.memory_space<vmem_shared>>
        tpu.wait_indirect_dma semaphore(%run_scoped3A_146 : memref<!tpu.dma_semaphore, #tpu.memory_space<semaphore_mem>>) src(%arg10 : memref<80x128xf32, #tpu.memory_space<vmem>>) dst(%dma_wait3A_158 : memref<10240x128xf32, #tpu.memory_space<vmem_shared>>)
        tpu.yield
      }) : () -> ()
      %add3A_132 = arith.constant 2 : i32
      %add3A_133 = arith.addi %add3A_120, %add3A_132 : i32
      %lt3A_134 = arith.constant 125 : i32
      %lt3A_135 = arith.cmpi slt, %add3A_133, %lt3A_134 : i32
      %convert_element_type3A_136 = arith.extui %lt3A_135 : i1 to i32
      %cond3A_137 = arith.constant 0 : i32
      %cond3A_138 = arith.cmpi ne, %convert_element_type3A_136, %cond3A_137 : i32
      scf.if %cond3A_138 {
        %add3A_146 = arith.addi %mul3A_2, %add3A_120 : i32
        %add3A_147 = arith.constant 2 : i32
        %add3A_148 = arith.addi %add3A_146, %add3A_147 : i32
        %dma_start3A_149 = arith.constant 0 : i32
        %dma_start3A_150 = arith.constant 0 : i32
        %dma_start3A_151 = arith.constant 0 : i32
        %dma_start3A_152 = tpu.memref_slice %arg6[%dma_start3A_150, %dma_start3A_151] : memref<1x80xi32, #tpu.memory_space<vmem>> -> memref<1x80xi32, #tpu.memory_space<vmem>>
        %dma_start3A_153 = tpu.memref_squeeze %dma_start3A_152 : memref<1x80xi32, #tpu.memory_space<vmem>> -> memref<80xi32, #tpu.memory_space<vmem>>
        %dma_start3A_154 = arith.constant 0 : i32
        %dma_start3A_155 = tpu.memref_slice %arg3[%add3A_148, %dma_start3A_149, %dma_start3A_154] : memref<4000x1x80xi32, #tpu.memory_space<hbm>> -> memref<1x1x80xi32, #tpu.memory_space<hbm>>
        %dma_start3A_156 = tpu.memref_squeeze %dma_start3A_155 : memref<1x1x80xi32, #tpu.memory_space<hbm>> -> memref<80xi32, #tpu.memory_space<hbm>>
        %dma_start3A_157 = arith.constant 0 : i32
        %dma_start3A_158 = tpu.memref_slice %arg6[%dma_start3A_150, %dma_start3A_157] : memref<1x80xi32, #tpu.memory_space<vmem>> -> memref<1x80xi32, #tpu.memory_space<vmem>>
        %dma_start3A_159 = tpu.memref_squeeze %dma_start3A_158 : memref<1x80xi32, #tpu.memory_space<vmem>> -> memref<80xi32, #tpu.memory_space<vmem>>
        %dma_start3A_160 = arith.constant 0 : i32
        %dma_start3A_161 = tpu.memref_slice %arg3[%add3A_148, %dma_start3A_149, %dma_start3A_160] : memref<4000x1x80xi32, #tpu.memory_space<hbm>> -> memref<1x1x80xi32, #tpu.memory_space<hbm>>
        %dma_start3A_162 = tpu.memref_squeeze %dma_start3A_161 : memref<1x1x80xi32, #tpu.memory_space<hbm>> -> memref<80xi32, #tpu.memory_space<hbm>>
        tpu.enqueue_dma source(%dma_start3A_162 : memref<80xi32, #tpu.memory_space<hbm>>) target(%dma_start3A_159 : memref<80xi32, #tpu.memory_space<vmem>>) target_semaphore(%arg16 : memref<!tpu.dma_semaphore, #tpu.memory_space<semaphore_mem>>)
        %add3A_163 = arith.addi %mul3A_2, %add3A_120 : i32
        %add3A_164 = arith.constant 2 : i32
        %add3A_165 = arith.addi %add3A_163, %add3A_164 : i32
        %dma_start3A_166 = arith.constant 0 : i32
        %dma_start3A_167 = arith.constant 0 : i32
        %dma_start3A_168 = arith.constant 0 : i32
        %dma_start3A_169 = tpu.memref_slice %arg7[%dma_start3A_167, %dma_start3A_168] : memref<1x80xi32, #tpu.memory_space<vmem>> -> memref<1x80xi32, #tpu.memory_space<vmem>>
        %dma_start3A_170 = tpu.memref_squeeze %dma_start3A_169 : memref<1x80xi32, #tpu.memory_space<vmem>> -> memref<80xi32, #tpu.memory_space<vmem>>
        %dma_start3A_171 = arith.constant 0 : i32
        %dma_start3A_172 = tpu.memref_slice %arg4[%add3A_165, %dma_start3A_166, %dma_start3A_171] : memref<4000x1x80xi32, #tpu.memory_space<hbm>> -> memref<1x1x80xi32, #tpu.memory_space<hbm>>
        %dma_start3A_173 = tpu.memref_squeeze %dma_start3A_172 : memref<1x1x80xi32, #tpu.memory_space<hbm>> -> memref<80xi32, #tpu.memory_space<hbm>>
        %dma_start3A_174 = arith.constant 0 : i32
        %dma_start3A_175 = tpu.memref_slice %arg7[%dma_start3A_167, %dma_start3A_174] : memref<1x80xi32, #tpu.memory_space<vmem>> -> memref<1x80xi32, #tpu.memory_space<vmem>>
        %dma_start3A_176 = tpu.memref_squeeze %dma_start3A_175 : memref<1x80xi32, #tpu.memory_space<vmem>> -> memref<80xi32, #tpu.memory_space<vmem>>
        %dma_start3A_177 = arith.constant 0 : i32
        %dma_start3A_178 = tpu.memref_slice %arg4[%add3A_165, %dma_start3A_166, %dma_start3A_177] : memref<4000x1x80xi32, #tpu.memory_space<hbm>> -> memref<1x1x80xi32, #tpu.memory_space<hbm>>
        %dma_start3A_179 = tpu.memref_squeeze %dma_start3A_178 : memref<1x1x80xi32, #tpu.memory_space<hbm>> -> memref<80xi32, #tpu.memory_space<hbm>>
        tpu.enqueue_dma source(%dma_start3A_179 : memref<80xi32, #tpu.memory_space<hbm>>) target(%dma_start3A_176 : memref<80xi32, #tpu.memory_space<vmem>>) target_semaphore(%arg16 : memref<!tpu.dma_semaphore, #tpu.memory_space<semaphore_mem>>)
      } else {
      }
      %add3A_139 = arith.constant 1 : i32
      %add3A_140 = arith.addi %add3A_120, %add3A_139 : i32
      %lt3A_141 = arith.constant 125 : i32
      %lt3A_142 = arith.cmpi slt, %add3A_140, %lt3A_141 : i32
      %convert_element_type3A_143 = arith.extui %lt3A_142 : i1 to i32
      %cond3A_144 = arith.constant 0 : i32
      %cond3A_145 = arith.cmpi ne, %convert_element_type3A_143, %cond3A_144 : i32
      scf.if %cond3A_145 {
        %dma_wait3A_146 = arith.constant 0 : i32
        %dma_wait3A_147 = arith.constant 0 : i32
        %dma_wait3A_148 = tpu.memref_slice %arg8[%dma_wait3A_146, %dma_wait3A_147] : memref<1x80xi32, #tpu.memory_space<vmem>> -> memref<1x80xi32, #tpu.memory_space<vmem>>
        %dma_wait3A_149 = tpu.memref_squeeze %dma_wait3A_148 : memref<1x80xi32, #tpu.memory_space<vmem>> -> memref<80xi32, #tpu.memory_space<vmem>>
        %dma_wait3A_150 = arith.constant 0 : i32
        %dma_wait3A_151 = arith.constant 0 : i32
        %dma_wait3A_152 = tpu.memref_slice %arg2[%dma_wait3A_150, %dma_wait3A_151] : memref<10000x128xf32, #tpu.memory_space<hbm>> -> memref<10000x128xf32, #tpu.memory_space<hbm>>
        tpu.wait_indirect_dma semaphore(%arg15 : memref<!tpu.dma_semaphore, #tpu.memory_space<semaphore_mem>>) src(%dma_wait3A_152 : memref<10000x128xf32, #tpu.memory_space<hbm>>) dst(%arg11 : memref<80x128xf32, #tpu.memory_space<vmem>>)
        %add3A_153 = arith.constant 2 : i32
        %add3A_154 = arith.addi %add3A_120, %add3A_153 : i32
        %lt3A_155 = arith.constant 125 : i32
        %lt3A_156 = arith.cmpi slt, %add3A_154, %lt3A_155 : i32
        %convert_element_type3A_157 = arith.extui %lt3A_156 : i1 to i32
        %cond3A_158 = arith.constant 0 : i32
        %cond3A_159 = arith.cmpi ne, %convert_element_type3A_157, %cond3A_158 : i32
        scf.if %cond3A_159 {
          %dma_wait3A_168 = arith.constant 0 : i32
          %dma_wait3A_169 = arith.constant 0 : i32
          %dma_wait3A_170 = arith.constant 0 : i32
          %dma_wait3A_171 = tpu.memref_slice %arg6[%dma_wait3A_169, %dma_wait3A_170] : memref<1x80xi32, #tpu.memory_space<vmem>> -> memref<1x80xi32, #tpu.memory_space<vmem>>
          %dma_wait3A_172 = tpu.memref_squeeze %dma_wait3A_171 : memref<1x80xi32, #tpu.memory_space<vmem>> -> memref<80xi32, #tpu.memory_space<vmem>>
          %dma_wait3A_173 = arith.constant 0 : i32
          %dma_wait3A_174 = tpu.memref_slice %arg3[%mul3A_2, %dma_wait3A_168, %dma_wait3A_173] : memref<4000x1x80xi32, #tpu.memory_space<hbm>> -> memref<1x1x80xi32, #tpu.memory_space<hbm>>
          %dma_wait3A_175 = tpu.memref_squeeze %dma_wait3A_174 : memref<1x1x80xi32, #tpu.memory_space<hbm>> -> memref<80xi32, #tpu.memory_space<hbm>>
          %dma_wait3A_176 = arith.constant 0 : i32
          %dma_wait3A_177 = tpu.memref_slice %arg6[%dma_wait3A_169, %dma_wait3A_176] : memref<1x80xi32, #tpu.memory_space<vmem>> -> memref<1x80xi32, #tpu.memory_space<vmem>>
          %dma_wait3A_178 = tpu.memref_squeeze %dma_wait3A_177 : memref<1x80xi32, #tpu.memory_space<vmem>> -> memref<80xi32, #tpu.memory_space<vmem>>
          %dma_wait3A_179 = arith.constant 0 : i32
          %dma_wait3A_180 = tpu.memref_slice %arg3[%mul3A_2, %dma_wait3A_168, %dma_wait3A_179] : memref<4000x1x80xi32, #tpu.memory_space<hbm>> -> memref<1x1x80xi32, #tpu.memory_space<hbm>>
          %dma_wait3A_181 = tpu.memref_squeeze %dma_wait3A_180 : memref<1x1x80xi32, #tpu.memory_space<hbm>> -> memref<80xi32, #tpu.memory_space<hbm>>
          tpu.wait_dma2 semaphore(%arg16 : memref<!tpu.dma_semaphore, #tpu.memory_space<semaphore_mem>>) src(%dma_wait3A_181 : memref<80xi32, #tpu.memory_space<hbm>>) dst(%dma_wait3A_178 : memref<80xi32, #tpu.memory_space<vmem>>)
          %dma_wait3A_182 = arith.constant 0 : i32
          %dma_wait3A_183 = arith.constant 0 : i32
          %dma_wait3A_184 = arith.constant 0 : i32
          %dma_wait3A_185 = tpu.memref_slice %arg7[%dma_wait3A_183, %dma_wait3A_184] : memref<1x80xi32, #tpu.memory_space<vmem>> -> memref<1x80xi32, #tpu.memory_space<vmem>>
          %dma_wait3A_186 = tpu.memref_squeeze %dma_wait3A_185 : memref<1x80xi32, #tpu.memory_space<vmem>> -> memref<80xi32, #tpu.memory_space<vmem>>
          %dma_wait3A_187 = arith.constant 0 : i32
          %dma_wait3A_188 = tpu.memref_slice %arg4[%mul3A_2, %dma_wait3A_182, %dma_wait3A_187] : memref<4000x1x80xi32, #tpu.memory_space<hbm>> -> memref<1x1x80xi32, #tpu.memory_space<hbm>>
          %dma_wait3A_189 = tpu.memref_squeeze %dma_wait3A_188 : memref<1x1x80xi32, #tpu.memory_space<hbm>> -> memref<80xi32, #tpu.memory_space<hbm>>
          %dma_wait3A_190 = arith.constant 0 : i32
          %dma_wait3A_191 = tpu.memref_slice %arg7[%dma_wait3A_183, %dma_wait3A_190] : memref<1x80xi32, #tpu.memory_space<vmem>> -> memref<1x80xi32, #tpu.memory_space<vmem>>
          %dma_wait3A_192 = tpu.memref_squeeze %dma_wait3A_191 : memref<1x80xi32, #tpu.memory_space<vmem>> -> memref<80xi32, #tpu.memory_space<vmem>>
          %dma_wait3A_193 = arith.constant 0 : i32
          %dma_wait3A_194 = tpu.memref_slice %arg4[%mul3A_2, %dma_wait3A_182, %dma_wait3A_193] : memref<4000x1x80xi32, #tpu.memory_space<hbm>> -> memref<1x1x80xi32, #tpu.memory_space<hbm>>
          %dma_wait3A_195 = tpu.memref_squeeze %dma_wait3A_194 : memref<1x1x80xi32, #tpu.memory_space<hbm>> -> memref<80xi32, #tpu.memory_space<hbm>>
          tpu.wait_dma2 semaphore(%arg16 : memref<!tpu.dma_semaphore, #tpu.memory_space<semaphore_mem>>) src(%dma_wait3A_195 : memref<80xi32, #tpu.memory_space<hbm>>) dst(%dma_wait3A_192 : memref<80xi32, #tpu.memory_space<vmem>>)
          %dma_start3A_196 = arith.constant 0 : i32
          %dma_start3A_197 = arith.constant 0 : i32
          %dma_start3A_198 = tpu.memref_slice %arg6[%dma_start3A_196, %dma_start3A_197] : memref<1x80xi32, #tpu.memory_space<vmem>> -> memref<1x80xi32, #tpu.memory_space<vmem>>
          %dma_start3A_199 = tpu.memref_squeeze %dma_start3A_198 : memref<1x80xi32, #tpu.memory_space<vmem>> -> memref<80xi32, #tpu.memory_space<vmem>>
          %dma_start3A_200 = arith.constant 0 : i32
          %dma_start3A_201 = arith.constant 0 : i32
          %dma_start3A_202 = tpu.memref_slice %arg2[%dma_start3A_200, %dma_start3A_201] : memref<10000x128xf32, #tpu.memory_space<hbm>> -> memref<10000x128xf32, #tpu.memory_space<hbm>>
          tpu.enqueue_indirect_dma source(%dma_start3A_202 : memref<10000x128xf32, #tpu.memory_space<hbm>>) target(%arg10 : memref<80x128xf32, #tpu.memory_space<vmem>>) offsets(%dma_start3A_199 : memref<80xi32, #tpu.memory_space<vmem>>) semaphore(%arg14 : memref<!tpu.dma_semaphore, #tpu.memory_space<semaphore_mem>>)
        } else {
        }
        %run_scoped3A_160 = arith.constant 0 : i32
        "tpu.region"() ({
          %run_scoped3A_168 = tpu.sem_alloc : memref<!tpu.dma_semaphore, #tpu.memory_space<semaphore_mem>>
          %dma_start3A_169 = arith.constant 0 : i32
          %dma_start3A_170 = tpu.memref_slice %arg9[%run_scoped3A_160, %dma_start3A_169] : memref<1x80xi32, #tpu.memory_space<vmem>> -> memref<1x80xi32, #tpu.memory_space<vmem>>
          %dma_start3A_171 = tpu.memref_squeeze %dma_start3A_170 : memref<1x80xi32, #tpu.memory_space<vmem>> -> memref<80xi32, #tpu.memory_space<vmem>>
          %dma_start3A_172 = arith.constant 0 : i32
          %dma_start3A_173 = arith.constant 0 : i32
          %dma_start3A_174 = tpu.memref_slice %arg13[%dma_start3A_172, %dma_start3A_173] : memref<10240x128xf32, #tpu.memory_space<vmem_shared>> -> memref<10240x128xf32, #tpu.memory_space<vmem_shared>>
          tpu.enqueue_indirect_dma source(%arg11 : memref<80x128xf32, #tpu.memory_space<vmem>>) target(%dma_start3A_174 : memref<10240x128xf32, #tpu.memory_space<vmem_shared>>) offsets(%dma_start3A_171 : memref<80xi32, #tpu.memory_space<vmem>>) semaphore(%run_scoped3A_168 : memref<!tpu.dma_semaphore, #tpu.memory_space<semaphore_mem>>) {add = true}
          %dma_wait3A_175 = arith.constant 0 : i32
          %dma_wait3A_176 = tpu.memref_slice %arg9[%run_scoped3A_160, %dma_wait3A_175] : memref<1x80xi32, #tpu.memory_space<vmem>> -> memref<1x80xi32, #tpu.memory_space<vmem>>
          %dma_wait3A_177 = tpu.memref_squeeze %dma_wait3A_176 : memref<1x80xi32, #tpu.memory_space<vmem>> -> memref<80xi32, #tpu.memory_space<vmem>>
          %dma_wait3A_178 = arith.constant 0 : i32
          %dma_wait3A_179 = arith.constant 0 : i32
          %dma_wait3A_180 = tpu.memref_slice %arg13[%dma_wait3A_178, %dma_wait3A_179] : memref<10240x128xf32, #tpu.memory_space<vmem_shared>> -> memref<10240x128xf32, #tpu.memory_space<vmem_shared>>
          tpu.wait_indirect_dma semaphore(%run_scoped3A_168 : memref<!tpu.dma_semaphore, #tpu.memory_space<semaphore_mem>>) src(%arg11 : memref<80x128xf32, #tpu.memory_space<vmem>>) dst(%dma_wait3A_180 : memref<10240x128xf32, #tpu.memory_space<vmem_shared>>)
          tpu.yield
        }) : () -> ()
        %add3A_161 = arith.constant 3 : i32
        %add3A_162 = arith.addi %add3A_120, %add3A_161 : i32
        %lt3A_163 = arith.constant 125 : i32
        %lt3A_164 = arith.cmpi slt, %add3A_162, %lt3A_163 : i32
        %convert_element_type3A_165 = arith.extui %lt3A_164 : i1 to i32
        %cond3A_166 = arith.constant 0 : i32
        %cond3A_167 = arith.cmpi ne, %convert_element_type3A_165, %cond3A_166 : i32
        scf.if %cond3A_167 {
          %add3A_168 = arith.addi %mul3A_2, %add3A_120 : i32
          %add3A_169 = arith.constant 3 : i32
          %add3A_170 = arith.addi %add3A_168, %add3A_169 : i32
          %dma_start3A_171 = arith.constant 0 : i32
          %dma_start3A_172 = arith.constant 0 : i32
          %dma_start3A_173 = arith.constant 0 : i32
          %dma_start3A_174 = tpu.memref_slice %arg8[%dma_start3A_172, %dma_start3A_173] : memref<1x80xi32, #tpu.memory_space<vmem>> -> memref<1x80xi32, #tpu.memory_space<vmem>>
          %dma_start3A_175 = tpu.memref_squeeze %dma_start3A_174 : memref<1x80xi32, #tpu.memory_space<vmem>> -> memref<80xi32, #tpu.memory_space<vmem>>
          %dma_start3A_176 = arith.constant 0 : i32
          %dma_start3A_177 = tpu.memref_slice %arg3[%add3A_170, %dma_start3A_171, %dma_start3A_176] : memref<4000x1x80xi32, #tpu.memory_space<hbm>> -> memref<1x1x80xi32, #tpu.memory_space<hbm>>
          %dma_start3A_178 = tpu.memref_squeeze %dma_start3A_177 : memref<1x1x80xi32, #tpu.memory_space<hbm>> -> memref<80xi32, #tpu.memory_space<hbm>>
          %dma_start3A_179 = arith.constant 0 : i32
          %dma_start3A_180 = tpu.memref_slice %arg8[%dma_start3A_172, %dma_start3A_179] : memref<1x80xi32, #tpu.memory_space<vmem>> -> memref<1x80xi32, #tpu.memory_space<vmem>>
          %dma_start3A_181 = tpu.memref_squeeze %dma_start3A_180 : memref<1x80xi32, #tpu.memory_space<vmem>> -> memref<80xi32, #tpu.memory_space<vmem>>
          %dma_start3A_182 = arith.constant 0 : i32
          %dma_start3A_183 = tpu.memref_slice %arg3[%add3A_170, %dma_start3A_171, %dma_start3A_182] : memref<4000x1x80xi32, #tpu.memory_space<hbm>> -> memref<1x1x80xi32, #tpu.memory_space<hbm>>
          %dma_start3A_184 = tpu.memref_squeeze %dma_start3A_183 : memref<1x1x80xi32, #tpu.memory_space<hbm>> -> memref<80xi32, #tpu.memory_space<hbm>>
          tpu.enqueue_dma source(%dma_start3A_184 : memref<80xi32, #tpu.memory_space<hbm>>) target(%dma_start3A_181 : memref<80xi32, #tpu.memory_space<vmem>>) target_semaphore(%arg17 : memref<!tpu.dma_semaphore, #tpu.memory_space<semaphore_mem>>)
          %add3A_185 = arith.addi %mul3A_2, %add3A_120 : i32
          %add3A_186 = arith.constant 3 : i32
          %add3A_187 = arith.addi %add3A_185, %add3A_186 : i32
          %dma_start3A_188 = arith.constant 0 : i32
          %dma_start3A_189 = arith.constant 0 : i32
          %dma_start3A_190 = arith.constant 0 : i32
          %dma_start3A_191 = tpu.memref_slice %arg9[%dma_start3A_189, %dma_start3A_190] : memref<1x80xi32, #tpu.memory_space<vmem>> -> memref<1x80xi32, #tpu.memory_space<vmem>>
          %dma_start3A_192 = tpu.memref_squeeze %dma_start3A_191 : memref<1x80xi32, #tpu.memory_space<vmem>> -> memref<80xi32, #tpu.memory_space<vmem>>
          %dma_start3A_193 = arith.constant 0 : i32
          %dma_start3A_194 = tpu.memref_slice %arg4[%add3A_187, %dma_start3A_188, %dma_start3A_193] : memref<4000x1x80xi32, #tpu.memory_space<hbm>> -> memref<1x1x80xi32, #tpu.memory_space<hbm>>
          %dma_start3A_195 = tpu.memref_squeeze %dma_start3A_194 : memref<1x1x80xi32, #tpu.memory_space<hbm>> -> memref<80xi32, #tpu.memory_space<hbm>>
          %dma_start3A_196 = arith.constant 0 : i32
          %dma_start3A_197 = tpu.memref_slice %arg9[%dma_start3A_189, %dma_start3A_196] : memref<1x80xi32, #tpu.memory_space<vmem>> -> memref<1x80xi32, #tpu.memory_space<vmem>>
          %dma_start3A_198 = tpu.memref_squeeze %dma_start3A_197 : memref<1x80xi32, #tpu.memory_space<vmem>> -> memref<80xi32, #tpu.memory_space<vmem>>
          %dma_start3A_199 = arith.constant 0 : i32
          %dma_start3A_200 = tpu.memref_slice %arg4[%add3A_187, %dma_start3A_188, %dma_start3A_199] : memref<4000x1x80xi32, #tpu.memory_space<hbm>> -> memref<1x1x80xi32, #tpu.memory_space<hbm>>
          %dma_start3A_201 = tpu.memref_squeeze %dma_start3A_200 : memref<1x1x80xi32, #tpu.memory_space<hbm>> -> memref<80xi32, #tpu.memory_space<hbm>>
          tpu.enqueue_dma source(%dma_start3A_201 : memref<80xi32, #tpu.memory_space<hbm>>) target(%dma_start3A_198 : memref<80xi32, #tpu.memory_space<vmem>>) target_semaphore(%arg17 : memref<!tpu.dma_semaphore, #tpu.memory_space<semaphore_mem>>)
        } else {
        }
      } else {
      }
    }
    %scan3A_110 = arith.constant 63 : i32
    %barrier3A_111 = arith.constant 0 : index
    tpu.barrier barrier_id(%barrier3A_111)
    %mul3A_112 = arith.constant 640 : i32
    %mul3A_113 = arith.muli %arg1, %mul3A_112 : i32
    %mul3A_114 = arith.constant 640 : i32
    %mul3A_115 = arith.muli %arg1, %mul3A_114 : i32
    "tpu.region"() ({
      %run_scoped3A = tpu.sem_alloc : memref<!tpu.dma_semaphore, #tpu.memory_space<semaphore_mem>>
      %dma_start3A_116 = arith.constant 0 : i32
      %dma_start3A_117 = tpu.memref_slice %arg5[%arg0, %mul3A_115, %dma_start3A_116] : memref<2x10240x128xf32, #tpu.memory_space<hbm>> -> memref<1x640x128xf32, #tpu.memory_space<hbm>>
      %dma_start3A_118 = tpu.memref_squeeze %dma_start3A_117 : memref<1x640x128xf32, #tpu.memory_space<hbm>> -> memref<640x128xf32, #tpu.memory_space<hbm>>
      %dma_start3A_119 = arith.constant 0 : i32
      %dma_start3A_120 = tpu.memref_slice %arg13[%mul3A_113, %dma_start3A_119] : memref<10240x128xf32, #tpu.memory_space<vmem_shared>> -> memref<640x128xf32, #tpu.memory_space<vmem_shared>>
      tpu.enqueue_dma source(%dma_start3A_120 : memref<640x128xf32, #tpu.memory_space<vmem_shared>>) target(%dma_start3A_118 : memref<640x128xf32, #tpu.memory_space<hbm>>) target_semaphore(%run_scoped3A : memref<!tpu.dma_semaphore, #tpu.memory_space<semaphore_mem>>)
      %dma_wait3A_121 = arith.constant 0 : i32
      %dma_wait3A_122 = tpu.memref_slice %arg5[%arg0, %mul3A_115, %dma_wait3A_121] : memref<2x10240x128xf32, #tpu.memory_space<hbm>> -> memref<1x640x128xf32, #tpu.memory_space<hbm>>
      %dma_wait3A_123 = tpu.memref_squeeze %dma_wait3A_122 : memref<1x640x128xf32, #tpu.memory_space<hbm>> -> memref<640x128xf32, #tpu.memory_space<hbm>>
      %dma_wait3A_124 = arith.constant 0 : i32
      %dma_wait3A_125 = tpu.memref_slice %arg13[%mul3A_113, %dma_wait3A_124] : memref<10240x128xf32, #tpu.memory_space<vmem_shared>> -> memref<640x128xf32, #tpu.memory_space<vmem_shared>>
      tpu.wait_dma2 semaphore(%run_scoped3A : memref<!tpu.dma_semaphore, #tpu.memory_space<semaphore_mem>>) src(%dma_wait3A_125 : memref<640x128xf32, #tpu.memory_space<vmem_shared>>) dst(%dma_wait3A_123 : memref<640x128xf32, #tpu.memory_space<hbm>>)
      tpu.yield
    }) : () -> ()
    return
  }
}

module attributes {stable_mosaic.version = 14 : i64} {
  func.func @_scales_body(%arg0: memref<32x10000xf32, #tpu.memory_space<vmem>>, %arg1: memref<32x10000xf32, #tpu.memory_space<vmem>>, %arg2: memref<10000x1xf32, #tpu.memory_space<vmem>>, %arg3: memref<10000x1xf32, #tpu.memory_space<vmem>>) attributes {dimension_semantics = [], scalar_prefetch = 0 : i64, scratch_operands = 0 : i64, tpu.core_type = #tpu.core_type<tc>} {
    %get3A = arith.constant 0 : index
    %get3A_0 = arith.constant 0 : index
    %get3A_1 = vector.load %arg0[%get3A, %get3A_0] : memref<32x10000xf32, #tpu.memory_space<vmem>>, vector<32x10000xf32>
    %transpose3A = tpu.transpose %get3A_1, [1, 0] : vector<32x10000xf32> -> vector<10000x32xf32>
    %reduce_sum3A = arith.constant dense<0.000000e+00> : vector<10000xf32>
    %reduce_sum3A_2 = vector.multi_reduction <add>, %transpose3A, %reduce_sum3A [1] : vector<10000x32xf32> to vector<10000xf32>
    %broadcast_in_dim3A = vector.shape_cast %reduce_sum3A_2 : vector<10000xf32> to vector<10000x1xf32>
    %gt3A = arith.constant 0.000000e+00 : f32
    %gt3A_3 = vector.broadcast %gt3A : f32 to vector<10000x1xf32>
    %gt3A_4 = arith.cmpf ogt, %broadcast_in_dim3A, %gt3A_3 : vector<10000x1xf32>
    %max3A = arith.constant 9.99999996E-13 : f32
    %max3A_5 = vector.broadcast %max3A : f32 to vector<10000x1xf32>
    %max3A_6 = arith.maximumf %broadcast_in_dim3A, %max3A_5 : vector<10000x1xf32>
    %rsqrt3A = math.rsqrt %max3A_6 : vector<10000x1xf32>
    %jit3A = arith.constant 0.000000e+00 : f32
    %broadcast_in_dim3A_7 = vector.broadcast %jit3A : f32 to vector<10000x1xf32>
    %select_n3A = arith.select %gt3A_4, %rsqrt3A, %broadcast_in_dim3A_7 : vector<10000x1xi1>, vector<10000x1xf32>
    %swap3A = arith.constant 0 : index
    %swap3A_8 = arith.constant 0 : index
    %swap3A_9 = vector.load %arg2[%swap3A, %swap3A_8] : memref<10000x1xf32, #tpu.memory_space<vmem>>, vector<10000x1xf32>
    tpu.vector_store %arg2[%swap3A, %swap3A_8], %select_n3A {strides = array<i32>} : memref<10000x1xf32, #tpu.memory_space<vmem>>, vector<10000x1xf32>,
    %get3A_10 = arith.constant 0 : index
    %get3A_11 = arith.constant 0 : index
    %get3A_12 = vector.load %arg1[%get3A_10, %get3A_11] : memref<32x10000xf32, #tpu.memory_space<vmem>>, vector<32x10000xf32>
    %transpose3A_13 = tpu.transpose %get3A_12, [1, 0] : vector<32x10000xf32> -> vector<10000x32xf32>
    %reduce_sum3A_14 = arith.constant dense<0.000000e+00> : vector<10000xf32>
    %reduce_sum3A_15 = vector.multi_reduction <add>, %transpose3A_13, %reduce_sum3A_14 [1] : vector<10000x32xf32> to vector<10000xf32>
    %broadcast_in_dim3A_16 = vector.shape_cast %reduce_sum3A_15 : vector<10000xf32> to vector<10000x1xf32>
    %gt3A_17 = arith.constant 0.000000e+00 : f32
    %gt3A_18 = vector.broadcast %gt3A_17 : f32 to vector<10000x1xf32>
    %gt3A_19 = arith.cmpf ogt, %broadcast_in_dim3A_16, %gt3A_18 : vector<10000x1xf32>
    %max3A_20 = arith.constant 9.99999996E-13 : f32
    %max3A_21 = vector.broadcast %max3A_20 : f32 to vector<10000x1xf32>
    %max3A_22 = arith.maximumf %broadcast_in_dim3A_16, %max3A_21 : vector<10000x1xf32>
    %div3A = arith.constant 1.000000e+00 : f32
    %div3A_23 = vector.broadcast %div3A : f32 to vector<10000x1xf32>
    %div3A_24 = arith.divf %div3A_23, %max3A_22 : vector<10000x1xf32>
    %jit3A_25 = arith.constant 0.000000e+00 : f32
    %broadcast_in_dim3A_26 = vector.broadcast %jit3A_25 : f32 to vector<10000x1xf32>
    %select_n3A_27 = arith.select %gt3A_19, %div3A_24, %broadcast_in_dim3A_26 : vector<10000x1xi1>, vector<10000x1xf32>
    %swap3A_28 = arith.constant 0 : index
    %swap3A_29 = arith.constant 0 : index
    %swap3A_30 = vector.load %arg3[%swap3A_28, %swap3A_29] : memref<10000x1xf32, #tpu.memory_space<vmem>>, vector<10000x1xf32>
    tpu.vector_store %arg3[%swap3A_28, %swap3A_29], %select_n3A_27 {strides = array<i32>} : memref<10000x1xf32, #tpu.memory_space<vmem>>, vector<10000x1xf32>,
    return
  }
}

module attributes {stable_mosaic.version = 14 : i64} {
  func.func @_proj_body(%arg0: i32, %arg1: memref<1000x128xf32, #tpu.memory_space<vmem>>, %arg2: memref<128x128xf32, #tpu.memory_space<vmem>>, %arg3: memref<1x128xf32, #tpu.memory_space<vmem>>, %arg4: memref<1000x1xf32, #tpu.memory_space<vmem>>, %arg5: memref<1000x128xf32, #tpu.memory_space<vmem>>) attributes {dimension_semantics = [#tpu.dimension_semantics<arbitrary>], iteration_bounds = array<i64: 10>, scalar_prefetch = 0 : i64, scratch_operands = 0 : i64, tpu.core_type = #tpu.core_type<tc>, window_params = [{transform_indices = @transform_0, window_bounds = array<i64: 1000, 128>}, {pipeline_mode = #tpu.pipeline_mode<synchronous>, transform_indices = @transform_1, window_bounds = array<i64: 128, 128>}, {pipeline_mode = #tpu.pipeline_mode<synchronous>, transform_indices = @transform_2, window_bounds = array<i64: 1, 128>}, {transform_indices = @transform_3, window_bounds = array<i64: 1000, 1>}, {transform_indices = @transform_4, window_bounds = array<i64: 1000, 128>}]} {
    %get3A = arith.constant 0 : index
    %get3A_0 = arith.constant 0 : index
    %get3A_1 = vector.load %arg1[%get3A, %get3A_0] : memref<1000x128xf32, #tpu.memory_space<vmem>>, vector<1000x128xf32>
    %get3A_2 = arith.constant 0 : index
    %get3A_3 = arith.constant 0 : index
    %get3A_4 = vector.load %arg2[%get3A_2, %get3A_3] : memref<128x128xf32, #tpu.memory_space<vmem>>, vector<128x128xf32>
    %dot_general3A = arith.constant dense<0.000000e+00> : vector<1000x128xf32>
    %dot_general3A_5 = tpu.matmul %get3A_1, %get3A_4, %dot_general3A {dimension_numbers = #tpu.dot_dimension_numbers<[1], [0], [0], [1], [0, 0, 1, 1], [], []>, transpose_lhs_hint = false} : vector<1000x128xf32>, vector<128x128xf32>, vector<1000x128xf32> -> vector<1000x128xf32>
    %get3A_6 = arith.constant 0 : index
    %get3A_7 = arith.constant 0 : index
    %get3A_8 = vector.load %arg3[%get3A_6, %get3A_7] : memref<1x128xf32, #tpu.memory_space<vmem>>, vector<1x128xf32>
    %add3A = vector.broadcast %get3A_8 : vector<1x128xf32> to vector<1000x128xf32>
    %add3A_9 = arith.addf %dot_general3A_5, %add3A : vector<1000x128xf32>
    %get3A_10 = arith.constant 0 : index
    %get3A_11 = arith.constant 0 : index
    %get3A_12 = vector.load %arg4[%get3A_10, %get3A_11] : memref<1000x1xf32, #tpu.memory_space<vmem>>, vector<1000x1xf32>
    %mul3A = vector.broadcast %get3A_12 : vector<1000x1xf32> to vector<1000x128xf32>
    %mul3A_13 = arith.mulf %add3A_9, %mul3A : vector<1000x128xf32>
    %swap3A = arith.constant 0 : index
    %swap3A_14 = arith.constant 0 : index
    %swap3A_15 = vector.load %arg5[%swap3A, %swap3A_14] : memref<1000x128xf32, #tpu.memory_space<vmem>>, vector<1000x128xf32>
    tpu.vector_store %arg5[%swap3A, %swap3A_14], %mul3A_13 {strides = array<i32>} : memref<1000x128xf32, #tpu.memory_space<vmem>>, vector<1000x128xf32>,
    return
  }
  func.func @transform_0(%arg0: i32) -> (i32, i32) {
    %c0_i32 = arith.constant 0 : i32
    %c0_i32_0 = arith.constant 0 : i32
    return %arg0, %c0_i32 : i32, i32
  }
  func.func @transform_1(%arg0: i32) -> (i32, i32) {
    %c0_i32 = arith.constant 0 : i32
    %c0_i32_0 = arith.constant 0 : i32
    %c0_i32_1 = arith.constant 0 : i32
    return %c0_i32, %c0_i32_0 : i32, i32
  }
  func.func @transform_2(%arg0: i32) -> (i32, i32) {
    %c0_i32 = arith.constant 0 : i32
    %c0_i32_0 = arith.constant 0 : i32
    %c0_i32_1 = arith.constant 0 : i32
    return %c0_i32, %c0_i32_0 : i32, i32
  }
  func.func @transform_3(%arg0: i32) -> (i32, i32) {
    %c0_i32 = arith.constant 0 : i32
    %c0_i32_0 = arith.constant 0 : i32
    return %arg0, %c0_i32 : i32, i32
  }
  func.func @transform_4(%arg0: i32) -> (i32, i32) {
    %c0_i32 = arith.constant 0 : i32
    %c0_i32_0 = arith.constant 0 : i32
    return %arg0, %c0_i32 : i32, i32
  }
}

module attributes {stable_mosaic.version = 14 : i64} {
  func.func @_combine_body(%arg0: i32, %arg1: memref<2x1000x128xf32, #tpu.memory_space<vmem>>, %arg2: memref<1000x1xf32, #tpu.memory_space<vmem>>, %arg3: memref<1000x128xf32, #tpu.memory_space<vmem>>) attributes {dimension_semantics = [#tpu.dimension_semantics<arbitrary>], iteration_bounds = array<i64: 10>, scalar_prefetch = 0 : i64, scratch_operands = 0 : i64, tpu.core_type = #tpu.core_type<tc>, window_params = [{transform_indices = @transform_0, window_bounds = array<i64: 2, 1000, 128>}, {transform_indices = @transform_1, window_bounds = array<i64: 1000, 1>}, {transform_indices = @transform_2, window_bounds = array<i64: 1000, 128>}]} {
    %get3A = arith.constant 0 : index
    %get3A_0 = arith.constant 0 : index
    %get3A_1 = arith.constant 0 : index
    %get3A_2 = vector.load %arg1[%get3A, %get3A_0, %get3A_1] : memref<2x1000x128xf32, #tpu.memory_space<vmem>>, vector<1x1000x128xf32>
    %get3A_3 = vector.shape_cast %get3A_2 : vector<1x1000x128xf32> to vector<1000x128xf32>
    %get3A_4 = arith.constant 1 : index
    %get3A_5 = arith.constant 0 : index
    %get3A_6 = arith.constant 0 : index
    %get3A_7 = vector.load %arg1[%get3A_4, %get3A_5, %get3A_6] : memref<2x1000x128xf32, #tpu.memory_space<vmem>>, vector<1x1000x128xf32>
    %get3A_8 = vector.shape_cast %get3A_7 : vector<1x1000x128xf32> to vector<1000x128xf32>
    %add3A = arith.addf %get3A_3, %get3A_8 : vector<1000x128xf32>
    %get3A_9 = arith.constant 0 : index
    %get3A_10 = arith.constant 0 : index
    %get3A_11 = vector.load %arg2[%get3A_9, %get3A_10] : memref<1000x1xf32, #tpu.memory_space<vmem>>, vector<1000x1xf32>
    %mul3A = vector.broadcast %get3A_11 : vector<1000x1xf32> to vector<1000x128xf32>
    %mul3A_12 = arith.mulf %add3A, %mul3A : vector<1000x128xf32>
    %swap3A = arith.constant 0 : index
    %swap3A_13 = arith.constant 0 : index
    %swap3A_14 = vector.load %arg3[%swap3A, %swap3A_13] : memref<1000x128xf32, #tpu.memory_space<vmem>>, vector<1000x128xf32>
    tpu.vector_store %arg3[%swap3A, %swap3A_13], %mul3A_12 {strides = array<i32>} : memref<1000x128xf32, #tpu.memory_space<vmem>>, vector<1000x128xf32>,
    return
  }
  func.func @transform_0(%arg0: i32) -> (i32, i32, i32) {
    %c0_i32 = arith.constant 0 : i32
    %c0_i32_0 = arith.constant 0 : i32
    %c0_i32_1 = arith.constant 0 : i32
    return %c0_i32, %arg0, %c0_i32_0 : i32, i32, i32
  }
  func.func @transform_1(%arg0: i32) -> (i32, i32) {
    %c0_i32 = arith.constant 0 : i32
    %c0_i32_0 = arith.constant 0 : i32
    return %arg0, %c0_i32 : i32, i32
  }
  func.func @transform_2(%arg0: i32) -> (i32, i32) {
    %c0_i32 = arith.constant 0 : i32
    %c0_i32_0 = arith.constant 0 : i32
    return %arg0, %c0_i32 : i32, i32
  }
}

module attributes {stable_mosaic.version = 14 : i64} {
  func.func @_combine_body(%arg0: i32, %arg1: memref<2x1000x128xf32, #tpu.memory_space<vmem>>, %arg2: memref<1000x1xf32, #tpu.memory_space<vmem>>, %arg3: memref<1000x128xf32, #tpu.memory_space<vmem>>) attributes {dimension_semantics = [#tpu.dimension_semantics<arbitrary>], iteration_bounds = array<i64: 10>, scalar_prefetch = 0 : i64, scratch_operands = 0 : i64, tpu.core_type = #tpu.core_type<tc>, window_params = [{transform_indices = @transform_0, window_bounds = array<i64: 2, 1000, 128>}, {transform_indices = @transform_1, window_bounds = array<i64: 1000, 1>}, {transform_indices = @transform_2, window_bounds = array<i64: 1000, 128>}]} {
    %get3A = arith.constant 0 : index
    %get3A_0 = arith.constant 0 : index
    %get3A_1 = arith.constant 0 : index
    %get3A_2 = vector.load %arg1[%get3A, %get3A_0, %get3A_1] : memref<2x1000x128xf32, #tpu.memory_space<vmem>>, vector<1x1000x128xf32>
    %get3A_3 = vector.shape_cast %get3A_2 : vector<1x1000x128xf32> to vector<1000x128xf32>
    %get3A_4 = arith.constant 1 : index
    %get3A_5 = arith.constant 0 : index
    %get3A_6 = arith.constant 0 : index
    %get3A_7 = vector.load %arg1[%get3A_4, %get3A_5, %get3A_6] : memref<2x1000x128xf32, #tpu.memory_space<vmem>>, vector<1x1000x128xf32>
    %get3A_8 = vector.shape_cast %get3A_7 : vector<1x1000x128xf32> to vector<1000x128xf32>
    %add3A = arith.addf %get3A_3, %get3A_8 : vector<1000x128xf32>
    %get3A_9 = arith.constant 0 : index
    %get3A_10 = arith.constant 0 : index
    %get3A_11 = vector.load %arg2[%get3A_9, %get3A_10] : memref<1000x1xf32, #tpu.memory_space<vmem>>, vector<1000x1xf32>
    %mul3A = vector.broadcast %get3A_11 : vector<1000x1xf32> to vector<1000x128xf32>
    %mul3A_12 = arith.mulf %add3A, %mul3A : vector<1000x128xf32>
    %max3A = arith.constant 0.000000e+00 : f32
    %max3A_13 = vector.broadcast %max3A : f32 to vector<1000x128xf32>
    %max3A_14 = arith.maximumf %mul3A_12, %max3A_13 : vector<1000x128xf32>
    %swap3A = arith.constant 0 : index
    %swap3A_15 = arith.constant 0 : index
    %swap3A_16 = vector.load %arg3[%swap3A, %swap3A_15] : memref<1000x128xf32, #tpu.memory_space<vmem>>, vector<1000x128xf32>
    tpu.vector_store %arg3[%swap3A, %swap3A_15], %max3A_14 {strides = array<i32>} : memref<1000x128xf32, #tpu.memory_space<vmem>>, vector<1000x128xf32>,
    return
  }
  func.func @transform_0(%arg0: i32) -> (i32, i32, i32) {
    %c0_i32 = arith.constant 0 : i32
    %c0_i32_0 = arith.constant 0 : i32
    %c0_i32_1 = arith.constant 0 : i32
    return %c0_i32, %arg0, %c0_i32_0 : i32, i32, i32
  }
  func.func @transform_1(%arg0: i32) -> (i32, i32) {
    %c0_i32 = arith.constant 0 : i32
    %c0_i32_0 = arith.constant 0 : i32
    return %arg0, %c0_i32 : i32, i32
  }
  func.func @transform_2(%arg0: i32) -> (i32, i32) {
    %c0_i32 = arith.constant 0 : i32
    %c0_i32_0 = arith.constant 0 : i32
    return %arg0, %c0_i32 : i32, i32
  }
}

</mosaic_0001>

<sc_bundles>
// kernel: kernel.12.cloned.1.call-start
scs
__scs_entry_jumppad:
0x0: {  	(pc) =	sbr.rel $0x88, $3  }
0x1: {  	(tag) =	ssettag $0x0;
	lr =	simm.s32 $0x1  }
0x2: {  	[smem:$0x3F9D] =	sst lr;
	_ =	strace $0xD0000000  }
0x3: {  	_ = 	snop  }
0x4: {  	_ = 	snop  }
0x5: {  	_ = 	snop  }
0x6: {  	_ = 	snop  }
0x7: {  	_ = 	snop  }
__scs_overlays_trampoline_lowered:
0x8: {  	[smem:$0x3FAC] =	sst s0  }
0x9: {  	[smem:$0x3FAD] =	sst s1  }
0xa: {  	[smem:$0x3FAE] =	sst s2  }
0xb: {  	[smem:$0x3FAF] =	sst s3  }
0xc: {  	[smem:$0x3FB0] =	sst s4  }
0xd: {  	[smem:$0x3FB1] =	sst s5  }
0xe: {  	[smem:$0x3FB2] =	sst s6  }
0xf: {  	[smem:$0x3FB3] =	sst s7  }
0x10: {  	[smem:$0x3FB4] =	sst s8  }
0x11: {  	[smem:$0x3FB5] =	sst s9;
	s0 =	simm.s32 @!p0 $0x0  }
0x12: {  	s1 =	sld [smem:$0x3F9B];
	s0 =	simm.s32 @p0 $0x1  }
0x13: {  	[smem:$0x3FB6] =	sst s0;
	s0 =	simm.s32 @!p1 $0x0  }
0x14: {  	s2 =	sld [smem:$0x3F9A];
	s0 =	simm.s32 @p1 $0x1  }
0x15: {  	[smem:$0x3FB7] =	sst s0;
	s0 =	simm.s32 @!p2 $0x0  }
0x16: {  	s3 =	sld [smem:$0x3FDB];
	s0 =	simm.s32 @p2 $0x1  }
0x17: {  	s4 =	simm.s32 $0x1BF5;
	[smem:$0x3FB9] =	sst s0  }
0x18: {  	s0 =	sld [smem:$0x3F9C];
	_ =	swait.ge [sflag:s4], $0x0  }
0x19: {  	s7 =	sld [smem:$0x3F9D]  }
0x1a: {  	s8 =	sadd.s32 $0xFFFFE003, lr  }
0x1b: {  	s9 =	sadd.s32 $0xFFFFFEF7, lr;
	s5 =	simm.s32 $0xFFFFFFFF;
	p2 =	slt.u32 s8, $0xFFFFF086  }
0x1c: {  	p1 =	slt.u32 s9, $0xF7A;
	s5 =	simm.s32 @!p2 $0x0  }
0x1d: {  	s5 =	simm.s32 @p1 $0x1;
	p0 =	seq.s32 s7, s2  }
0x1e: {  	s7 =	smul.u32 @!p0 $0xF7A, s2;
	p2 =	seq.s32 @!p0 s5, $0x0  }
0x1f: {  	s9 =	smul.u32 $0xF7A, s1;
	s8 =	simm.s32 @!p0 $0x1BF5;
	p2 =	por !p2, p0  }
0x20: {  	[sflag:s8] =	ssyncset.s32 @!p0 $0xFFFFF086;
	s6 =	sadd.s32 @!p0 s3, s7;
	s7 =	simm.s32 @!p0 $0x108  }
0x21: {  	s3 =	sadd.s32 s3, s9;
	s6 =	sadd.s32 @!p0 $0x88, s6;
	s7 =	simm.s32 @p2 $0x1082  }
0x22: {  	[simem:s7], [sflag:s8] =	dma.local @!p0 [hbm:s6], $0xF7A  }
0x23: {  	s9 =	sor.u32 $0xD0000000, s2;
	s6 =	simm.s32 $0x108;
	_ =	swait.ge @!p0 [sflag:s8], $0x0  }
0x24: {  	s3 =	sadd.s32 $0x88, s3;
	s6 =	simm.s32 @!p1 $0x1082;
	[sflag:s4] =	ssyncset.s32 $0xFFFFF086  }
0x25: {  	[simem:s6], [sflag:s4] =	dma.local [hbm:s3], $0xF7A  }
0x26: {  	[smem:$0x3F9D] =	sst s1;
	(tag) =	ssettag s2;
	_ =	strace s9  }
0x27: {  	s1 =	sld [smem:$0x3FAD]  }
0x28: {  	s2 =	sld [smem:$0x3FAE]  }
0x29: {  	s4 =	sld [smem:$0x3FB0]  }
0x2a: {  	p0 =	seq.s32 s5, $0x0;
	s5 =	sld [smem:$0x3FB1]  }
0x2b: {  	s6 =	sld [smem:$0x3FB2]  }
0x2c: {  	s7 =	sld [smem:$0x3FB3]  }
0x2d: {  	s3 =	simm.s32 $0x108;
	s8 =	sld [smem:$0x3FB4]  }
0x2e: {  	s3 =	simm.s32 @!p0 $0x1082;
	s9 =	sld [smem:$0x3FB5]  }
0x2f: {  	lr =	sadd.s32 s0, s3;
	s0 =	sld [smem:$0x3FAC]  }
0x30: {  	s3 =	sld [smem:$0x3FAF]  }
0x31: {  	[smem:$0x3FB8] =	sst s10  }
0x32: {  	s10 =	sld [smem:$0x3FB6];
	_ =	sdelay $0x3  }
0x33: {  	p0 =	seq.s32 s10, $0x1;
	s10 =	sld [smem:$0x3FB8];
	_ =	sdelay $0x3  }
0x34: {  	[smem:$0x3FB8] =	sst s10  }
0x35: {  	s10 =	sld [smem:$0x3FB7];
	_ =	sdelay $0x3  }
0x36: {  	p1 =	seq.s32 s10, $0x1;
	s10 =	sld [smem:$0x3FB8];
	_ =	sdelay $0x3  }
0x37: {  	[smem:$0x3FB8] =	sst s10  }
0x38: {  	s10 =	sld [smem:$0x3FB9]  }
0x39: {  	_ = 	snop;
	(pc) =	sbr.ind lr, $3  }
0x3a: {  	_ = 	snop  }
0x3b: {  	_ = 	snop  }
0x3c: {  	p2 =	seq.s32 s10, $0x1;
	s10 =	sld [smem:$0x3FB8]  }
0x3d: {  	_ =	shalt  }
0x3e: {  	_ =	shalt  }
0x3f: {  	_ =	shalt  }
0x40: {  	_ =	shalt  }
0x41: {  	_ =	shalt  }
0x42: {  	_ =	shalt  }
0x43: {  	_ =	shalt  }
0x44: {  	_ =	shalt  }
0x45: {  	_ =	shalt  }
0x46: {  	_ =	shalt  }
0x47: {  	_ =	shalt  }
0x48: {  	_ =	shalt  }
0x49: {  	_ =	shalt  }
0x4a: {  	_ =	shalt  }
0x4b: {  	_ =	shalt  }
0x4c: {  	_ =	shalt  }
0x4d: {  	_ =	shalt  }
0x4e: {  	_ =	shalt  }
0x4f: {  	_ =	shalt  }
0x50: {  	_ =	shalt  }
0x51: {  	_ =	shalt  }
0x52: {  	_ =	shalt  }
0x53: {  	_ =	shalt  }
0x54: {  	_ =	shalt  }
0x55: {  	_ =	shalt  }
0x56: {  	_ =	shalt  }
0x57: {  	_ =	shalt  }
0x58: {  	_ =	shalt  }
0x59: {  	_ =	shalt  }
0x5a: {  	_ =	shalt  }
0x5b: {  	_ =	shalt  }
0x5c: {  	_ =	shalt  }
0x5d: {  	_ =	shalt  }
0x5e: {  	_ =	shalt  }
0x5f: {  	_ =	shalt  }
0x60: {  	_ =	shalt  }
0x61: {  	_ =	shalt  }
0x62: {  	_ =	shalt  }
0x63: {  	_ =	shalt  }
0x64: {  	_ =	shalt  }
0x65: {  	_ =	shalt  }
0x66: {  	_ =	shalt  }
0x67: {  	_ =	shalt  }
0x68: {  	_ =	shalt  }
0x69: {  	_ =	shalt  }
0x6a: {  	_ =	shalt  }
0x6b: {  	_ =	shalt  }
0x6c: {  	_ =	shalt  }
0x6d: {  	_ =	shalt  }
0x6e: {  	_ =	shalt  }
0x6f: {  	_ =	shalt  }
0x70: {  	_ =	shalt  }
0x71: {  	_ =	shalt  }
0x72: {  	_ =	shalt  }
0x73: {  	_ =	shalt  }
0x74: {  	_ =	shalt  }
0x75: {  	_ =	shalt  }
0x76: {  	_ =	shalt  }
0x77: {  	_ =	shalt  }
0x78: {  	_ =	shalt  }
0x79: {  	_ =	shalt  }
0x7a: {  	_ =	shalt  }
0x7b: {  	_ =	shalt  }
0x7c: {  	_ =	shalt  }
0x7d: {  	_ =	shalt  }
0x7e: {  	_ =	shalt  }
0x7f: {  	_ =	shalt  }
0x80: {  	_ =	shalt  }
0x81: {  	_ =	shalt  }
0x82: {  	_ =	shalt  }
0x83: {  	_ =	shalt  }
0x84: {  	_ =	shalt  }
0x85: {  	_ =	shalt  }
0x86: {  	_ =	shalt  }
0x87: {  	_ =	shalt  }
.Lfunc_end0:
.L_simem_size_0:
called_computation.1_lowered:
.L_overlay_start_0:
0x88: {  	s2 =	sld [smem:$0x3FD9]  }
0x89: {  	s3 =	sld [smem:$0x3FFE];
	_ =	sdelay $0x1  }
0x8a: {  	s1 =	srdreg.scid  }
0x8b: {  	s0 =	sand.u32 $0x1, s1  }
0x8c: {  	s17 =	sshll.u32 s0, $0xA;
	s2 =	sadd.s32 s3, s2  }
0x8d: {  	s2 =	sadd.s32 s2, s17  }
0x8e: {  	[smem:$0x3FC4] =	sst s2  }
0x8f: {  	_ = 	snop  }
0x90: {  	s2 =	sld [smem:$0x3FD0];
	(tm) =	ssettm $0x1  }
0x91: {  	s18 =	sld [smem:$0x3FFB];
	_ =	sdelay $0x3  }
0x92: {  	_ =	strace s18  }
0x93: {  	s3 =	sld [smem:$0x3FFC];
	_ =	sdelay $0x3  }
0x94: {  	_ =	strace s3  }
0x95: {  	s3 =	sld [smem:$0x3FFD];
	_ =	sdelay $0x3  }
0x96: {  	_ =	strace s3  }
0x97: {  	_ =	strace $0x8FFFFFFF  }
0x98: {  	s19 =	sld [smem:$0x3FDB];
	_ =	sdelay $0x1  }
0x99: {  	s4 =	simm.s32 $_scs_section_size  }
0x9a: {  	s5 =	simm.s32 $_size__tile_overlayer_lowered;
	s6 =	simm.s32 $_tile_overlayer_lowered  }
0x9b: {  	s22 =	simm.s32 $0x1BFF;
	s21 =	sshll.u32 s6, $0x1;
	s3 =	sadd.s32 s4, s19  }
0x9c: {  	s7 =	simm.s32 $0x0;
	s20 =	sshll.u32 s5, $0x1;
	s5 =	sadd.s32 s21, s3  }
0x9d: {  	[timem:s7], [sflag:s22] =	dma.local [hbm:s5], s20  }
0x9e: {  	_ =	swait.ge [sflag:s22], s20  }
0x9f: {  	s4 =	ssub.s32 $0x0, s20;
	[sflag:s22] =	ssyncset.done $0x0  }
0xa0: {  	[sflag:s22] =	ssyncadd.s32 s4;
	_ =	sdelay $0x1  }
0xa1: {  	s23 =	simm.s32 $0x1B8B  }
0xa2: {  	_ =	swait.ge [sflag:s23], $0x1  }
0xa3: {  	[sflag:s23] =	ssyncset.done $0x0  }
0xa4: {  	s25 =	simm.s32 $0x1B8E;
	s24 =	sld [smem:$0x3FFE];
	[sflag:s23] =	ssyncadd.s32 $0xFFFFFFFF  }
0xa5: {  	s26 =	simm.s32 $execute0_lowered;
	[smem:$0x3FD2] =	sst s25  }
0xa6: {  	s5 =	sshll.u32 s26, $0x1;
	_ =	strace $0x80000049;
	[dreg:$0x1] =	wrdreg $0xFFFFFFFF  }
0xa7: {  	s28 =	simm.s32 $_size_execute0_lowered;
	s3 =	sadd.s32 s3, s5;
	[dreg:$0x0] =	wrdreg $0x0  }
0xa8: {  	s5 =	sshll.u32 s28, $0x1;
	[dreg:$0x2] =	wrdreg s3  }
0xa9: {  	[dreg:$0x3] =	wrdreg s5  }
0xaa: {  	[dreg:$0x4] =	wrdreg $0xC0  }
0xab: {  	_ =	task [dreg:s7], $0x5FFFF  }
0xac: {  	[dreg:$0x1] =	wrdreg $0xFFFFFFFF  }
0xad: {  	[dreg:$0x0] =	wrdreg $0x60  }
0xae: {  	[dreg:$0x2] =	wrdreg s2  }
0xaf: {  	[dreg:$0x3] =	wrdreg s24  }
0xb0: {  	[dreg:$0x4] =	wrdreg $0x92000  }
0xb1: {  	[dreg:$0x5] =	wrdreg $0x9  }
0xb2: {  	_ =	task.clear_ibuf [dreg:s7], $0x6FFFF;
	_ =	strace $0x90000049  }
0xb3: {  	s29 =	simm.s32 $0x9;
	_ =	strace $0x8000004B  }
0xb4: {  	_ =	swait.ge [sflag:s29], $0x1  }
0xb5: {  	[sflag:s29] =	ssyncadd.s32 $0xFFFFFFFF  }
0xb6: {  	_ =	strace $0x9000004B  }
0xb7: {  	_ =	sfence  }
0xb8: {  	s30 =	sld [smem:$0x0];
	_ =	sdelay $0x2  }
0xb9: {  	s31 =	sshll.u32 s1, $0xD;
	s1 =	sshrl.u32 s1, $0x2  }
0xba: {  	s3 =	sand.u32 $0x4000, s31;
	s1 =	sadd.s32 s1, s30  }
0xbb: {  	s0 =	sor.u32 s3, s0;
	s1 =	sshll.u32 s1, $0x11  }
0xbc: {  	s0 =	sor.u32 s1, s0  }
0xbd: {  	s0 =	sadd.s32 $0x8F2B, s0  }
0xbe: {  	[sflag:s0] =	ssyncadd.remote.s32 $0x1  }
0xbf: {  	_ =	sfence.sel $0xFFFF  }
0xc0: {  	[dreg:$0x0] =	wrdreg $0xFFFFFFFF;
	(pc) =	sbr.abs _section_cstart, $3  }
0xc1: {  	[dreg:$0x1] =	wrdreg $0xFFFFFFFF  }
0xc2: {  	_ =	task.clear_ibuf [dreg:s7], $0x2FFFF;
	_ =	strace $0x9FFFFFFF  }
0xc3: {  	(tm) =	ssettm $0x7FFFFFFF  }
tec
execute0_lowered:
.L_overlay_start_1:
0x0: {  	(tag) =	ssettag $0x1  }
0x1: {  	s1 =	rddreg [dreg:$0x0]  }
0x2: {  	s0 =	rddreg [dreg:$0x1]  }
0x3: {  	s2 =	rddreg [dreg:$0x2]  }
0x4: {  	s3 =	srdreg.scid;
	s4 =	simm.s32 $0x0;
	s13 =	stileid.u32  }
0x5: {  	s18 =	simm.s32 $0x5200;
	s19 =	simm.s32 $0x5;
	s20 =	simm.s32 $0x80  }
0x6: {  	s28 =	simm.s32 $0x4;
	s29 =	simm.s32 $0x2A00;
	s30 =	simm.s32 $0x2  }
0x7: {  	s31 =	simm.s32 $0x0;
	s3 =	sand.u32 $0x1, s3;
	s6 =	smul.u32 $0x14000, s13  }
0x8: {  	[smem:$0x7FF] =	sst s4;
	s16 =	sadd.s32 $0x2F400, s0;
	s7 =	smul.u32 $0x50000, s13  }
0x9: {  	s17 =	sadd.s32 $0x1FA00, s0;
	s21 =	sshll.u32 s13, $0x1;
	s25 =	smul.u32 $0xFA0, s13  }
0xa: {  	s5 =	smul.u32 $0x140000, s3;
	_ =	strace $0x8000004A;
	s22 =	ssub.s32 $0x2, s3  }
0xb: {  	s9 =	sshrl.u32 s22, $0x1;
	s7 =	sshrl.u32 s7, $0x2;
	s26 =	sadd.s32 s25, s16  }
0xc: {  	s5 =	sadd.s32 s6, s5;
	s6 =	sor.u32 s3, s21;
	s3 =	smul.u32 $0x7D0, s3  }
0xd: {  	s11 =	ssub.s32 s22, s9;
	s21 =	simm.s32 $0x100;
	s8 =	smul.u32 $0x3E80, s6  }
0xe: {  	s22 =	simm.s32 $0x180;
	s5 =	sshrl.u32 s5, $0x3;
	s6 =	smul.u32 $0x7D0, s6  }
0xf: {  	s11 =	smax.u32 s11, $0x1;
	s0 =	sadd.s32 s5, s0;
	s5 =	sadd.s32 s7, s2  }
0x10: {  	s8 =	sshrl.u32 s8, $0x3;
	s23 =	sadd.s32 s16, s6;
	s6 =	sadd.s32 s17, s6  }
0x11: {  	s10 =	sadd.s32 $0x3EE00, s0;
	s12 =	sadd.s32 $0x4000, s5;
	s13 =	sadd.s32 $0x8000, s5  }
.Ltmp0:
0x12: {  	s14 =	sadd.s32 $0xC000, s5;
	s15 =	sadd.s32 $0x10000, s5;
	(pc) =	sbr.rel .LBB2_1-.Ltmp0, $4  }
0x13: {  	s0 =	sadd.s32 s25, s17;
	s25 =	simm.s32 $0x200;
	[dreg:$0x4] =	wrdreg s23  }
0x14: {  	[dreg:$0x5] =	wrdreg s6;
	s24 =	sadd.s32 $0x10, s8;
	s23 =	simm.s32 $0x3  }
0x15: {  	s8 =	sadd.s32 s16, s24;
	s9 =	sadd.s32 s17, s24;
	s16 =	sadd.s32 s3, s26  }
0x16: {  	v0 =	vimm.f32 $0.0e+00;
	s17 =	sadd.s32 s3, s0;
	s24 =	simm.s32 $0x50;
	s26 =	simm.s32 $0x1  }
.LBB2_6:
0x17: {  	_ =	swait.ge [sflag:s26], $0x2800  }
0x18: {  	[sflag:s26] =	ssyncset.done $0x0  }
0x19: {  	[sflag:s26] =	ssyncadd.s32 $0xFFFFD800  }
0x1a: {  	[spmem:s2] =	stream.indirect.scatter.add.f32 [tilespmem:s25], [sflag:$0x5], $0x80, s20, s24, $0xb8;
	[tilespmem:$0x1D200] =	vst v63  }
0x1b: {  	s0 =	stileid.u32;
	_ =	swait.ge [sflag:s19], $0x2800  }
0x1c: {  	s3 =	sshrl.u32 s5, $0x3;
	s31 =	sadd.s32 $0x1, s31;
	[sflag:s19] =	ssyncset.done $0x0  }
0x1d: {  	s0 =	sshll.u32 s0, $0x6;
	p0 =	sne.s32 s31, s11;
	[sflag:s19] =	ssyncadd.s32 $0xFFFFD800  }
.Ltmp1:
0x1e: {  	s0 =	sor.u32 $0x1C05, s0;
	[bflag:$0x0] =	sbarrier.arrive $0xFFFF;
	(pc) =	sbr.rel @!p0 .LBB2_7-.Ltmp1, $4  }
0x1f: {  	[hbm:s10], [sflag:s0] =	dma.local [spmem:s3], $0x2800  }
0x20: {  	_ =	swait.ge [sflag:s19], $0x2800  }
0x21: {  	[sflag:s19] =	ssyncset.done $0x0  }
0x22: {  	[sflag:s19] =	ssyncadd.s32 $0xFFFFD800  }
.LBB2_1:
0x23: {  	s0 =	simm.s32 $0x0;
	s3 =	simm.s32 $0x200  }
.LBB2_2:
0x24: {  	p0 =	sne.s32 s3, $0xFE00;
	[tilespmem:s0+$0x5270] =	vst v0  }
0x25: {  	[tilespmem:s0+$0x5200] =	vst v0  }
0x26: {  	[tilespmem:s0+$0x5210] =	vst v0  }
.Ltmp2:
0x27: {  	[tilespmem:s0+$0x5220] =	vst v0;
	(pc) =	sbr.rel @p0 .LBB2_2-.Ltmp2, $4  }
0x28: {  	[tilespmem:s0+$0x5230] =	vst v0  }
0x29: {  	[tilespmem:s0+$0x5240] =	vst v0  }
0x2a: {  	[tilespmem:s0+$0x5250] =	vst v0  }
0x2b: {  	[tilespmem:s0+$0x5260] =	vst v0;
	s0 =	sshra.s32 s3, $0x2;
	s3 =	sadd.s32 $0x200, s3  }
0x2c: {  	[tilespmem:s0+$0x5270] =	vst v0  }
0x2d: {  	[tilespmem:s0+$0x5200] =	vst v0  }
0x2e: {  	[tilespmem:s0+$0x5210] =	vst v0  }
0x2f: {  	[tilespmem:s0+$0x5220] =	vst v0  }
0x30: {  	[tilespmem:s0+$0x5230] =	vst v0  }
0x31: {  	[tilespmem:s0+$0x5240] =	vst v0  }
0x32: {  	[tilespmem:s0+$0x5250] =	vst v0  }
0x33: {  	[tilespmem:s0+$0x5260] =	vst v0  }
0x34: {  	[spmem:s5] =	stream.linear.scatter [tilespmem:s18], [sflag:$0x5], $0x4000, $0x38;
	[tilespmem:$0x1D200] =	vst v63  }
0x35: {  	_ =	swait.ge [sflag:s19], $0x4000  }
0x36: {  	[sflag:s19] =	ssyncset.done $0x0  }
0x37: {  	[sflag:s19] =	ssyncadd.s32 $0xFFFFC000  }
0x38: {  	[spmem:s12] =	stream.linear.scatter [tilespmem:s18], [sflag:$0x5], $0x4000, $0x38;
	[tilespmem:$0x1D200] =	vst v63  }
0x39: {  	_ =	swait.ge [sflag:s19], $0x4000  }
0x3a: {  	[sflag:s19] =	ssyncset.done $0x0  }
0x3b: {  	[sflag:s19] =	ssyncadd.s32 $0xFFFFC000  }
0x3c: {  	[spmem:s13] =	stream.linear.scatter [tilespmem:s18], [sflag:$0x5], $0x4000, $0x38;
	[tilespmem:$0x1D200] =	vst v63  }
0x3d: {  	_ =	swait.ge [sflag:s19], $0x4000  }
0x3e: {  	[sflag:s19] =	ssyncset.done $0x0  }
0x3f: {  	[sflag:s19] =	ssyncadd.s32 $0xFFFFC000  }
0x40: {  	[spmem:s14] =	stream.linear.scatter [tilespmem:s18], [sflag:$0x5], $0x4000, $0x38;
	[tilespmem:$0x1D200] =	vst v63  }
0x41: {  	_ =	swait.ge [sflag:s19], $0x4000  }
0x42: {  	[sflag:s19] =	ssyncset.done $0x0  }
0x43: {  	[sflag:s19] =	ssyncadd.s32 $0xFFFFC000  }
0x44: {  	[spmem:s15] =	stream.linear.scatter [tilespmem:s18], [sflag:$0x5], $0x4000, $0x38;
	[tilespmem:$0x1D200] =	vst v63  }
0x45: {  	_ =	swait.ge [sflag:s19], $0x4000  }
0x46: {  	[sflag:s19] =	ssyncset.done $0x0  }
0x47: {  	s0 =	simm.s32 $0x0;
	s3 =	rddreg [dreg:$0x4];
	[sflag:s19] =	ssyncadd.s32 $0xFFFFC000  }
0x48: {  	[tilespmem:s0], [sflag:$0x3] =	stream.linear.gather [hbm4b:s3+s0], $0x80, $0x38;
	[tilespmem:$0x1D200] =	vst v63  }
0x49: {  	s7 =	rddreg [dreg:$0x5]  }
0x4a: {  	[tilespmem:s20], [sflag:$0x3] =	stream.linear.gather [hbm4b:s7+s0], $0x80, $0x38;
	[tilespmem:$0x1D200] =	vst v63  }
0x4b: {  	_ = 	snop  }
0x4c: {  	[tilespmem:s21], [sflag:$0x4] =	stream.linear.gather [hbm4b:s8+s0], $0x80, $0x38;
	[tilespmem:$0x1D200] =	vst v63  }
0x4d: {  	_ = 	snop  }
0x4e: {  	[tilespmem:s22], [sflag:$0x4] =	stream.linear.gather [hbm4b:s9+s0], $0x80, $0x38;
	[tilespmem:$0x1D200] =	vst v63  }
0x4f: {  	[bflag:$0x0] =	sbarrier.arrive $0xFFFF  }
0x50: {  	_ =	swait.ge [sflag:s23], $0x80  }
0x51: {  	[sflag:s23] =	ssyncset.done $0x0  }
0x52: {  	[sflag:s23] =	ssyncadd.s32 $0xFFFFFF80  }
0x53: {  	_ =	swait.ge [sflag:s23], $0x80  }
0x54: {  	[sflag:s23] =	ssyncset.done $0x0  }
0x55: {  	[sflag:s23] =	ssyncadd.s32 $0xFFFFFF80  }
0x56: {  	[tilespmem:s25], [sflag:$0x1] =	stream.indirect.gather [hbm4b:s1+s24], $0x80, s0, s24, $0xb8;
	[tilespmem:$0x1D200] =	vst v63  }
.LBB2_4:
0x57: {  	_ =	swait.ge [sflag:s26], $0x2800  }
0x58: {  	[sflag:s26] =	ssyncset.done $0x0  }
0x59: {  	[sflag:s26] =	ssyncadd.s32 $0xFFFFD800  }
0x5a: {  	_ =	swait.ge [sflag:s28], $0x80  }
0x5b: {  	[sflag:s28] =	ssyncset.done $0x0  }
0x5c: {  	[sflag:s28] =	ssyncadd.s32 $0xFFFFFF80  }
0x5d: {  	_ =	swait.ge [sflag:s28], $0x80  }
0x5e: {  	[sflag:s28] =	ssyncset.done $0x0  }
0x5f: {  	[sflag:s28] =	ssyncadd.s32 $0xFFFFFF80  }
0x60: {  	[tilespmem:s29], [sflag:$0x2] =	stream.indirect.gather [hbm4b:s1+s24], $0x80, s21, s24, $0xb8;
	[tilespmem:$0x1D200] =	vst v63  }
0x61: {  	_ = 	snop  }
0x62: {  	[spmem:s2] =	stream.indirect.scatter.add.f32 [tilespmem:s25], [sflag:$0x5], $0x80, s20, s24, $0xb8;
	[tilespmem:$0x1D200] =	vst v63  }
0x63: {  	_ =	swait.ge [sflag:s19], $0x2800  }
0x64: {  	s3 =	sadd.s32 s0, s16;
	[sflag:s19] =	ssyncset.done $0x0  }
0x65: {  	s6 =	sadd.s32 $0x20, s3;
	[sflag:s19] =	ssyncadd.s32 $0xFFFFD800  }
0x66: {  	[tilespmem:s4], [sflag:$0x3] =	stream.linear.gather [hbm4b:s6+s4], $0x80, $0x38;
	[tilespmem:$0x1D200] =	vst v63  }
0x67: {  	s6 =	sadd.s32 s0, s17  }
0x68: {  	s7 =	sadd.s32 $0x20, s6  }
0x69: {  	[tilespmem:s20], [sflag:$0x3] =	stream.linear.gather [hbm4b:s7+s4], $0x80, $0x38;
	[tilespmem:$0x1D200] =	vst v63  }
0x6a: {  	_ =	swait.ge [sflag:s30], $0x2800  }
0x6b: {  	[sflag:s30] =	ssyncset.done $0x0  }
0x6c: {  	[sflag:s30] =	ssyncadd.s32 $0xFFFFD800  }
0x6d: {  	_ =	swait.ge [sflag:s23], $0x80  }
0x6e: {  	[sflag:s23] =	ssyncset.done $0x0  }
0x6f: {  	[sflag:s23] =	ssyncadd.s32 $0xFFFFFF80  }
0x70: {  	_ =	swait.ge [sflag:s23], $0x80  }
0x71: {  	[sflag:s23] =	ssyncset.done $0x0  }
0x72: {  	p0 =	seq.s32 s0, $0x7A0;
	[sflag:s23] =	ssyncadd.s32 $0xFFFFFF80  }
0x73: {  	[tilespmem:s25], [sflag:$0x1] =	stream.indirect.gather [hbm4b:s1+s24], $0x80, s4, s24, $0xb8;
	[tilespmem:$0x1D200] =	vst v63  }
.Ltmp3:
0x74: {  	_ = 	snop;
	(pc) =	sbr.rel @p0 .LBB2_6-.Ltmp3, $4  }
0x75: {  	[spmem:s2] =	stream.indirect.scatter.add.f32 [tilespmem:s29], [sflag:$0x5], $0x80, s22, s24, $0xb8;
	[tilespmem:$0x1D200] =	vst v63  }
0x76: {  	_ =	swait.ge [sflag:s19], $0x2800  }
0x77: {  	[sflag:s19] =	ssyncset.done $0x0  }
0x78: {  	[sflag:s19] =	ssyncadd.s32 $0xFFFFD800  }
.Ltmp4:
0x79: {  	(pc) =	sbr.rel .LBB2_4-.Ltmp4, $4  }
0x7a: {  	s3 =	sadd.s32 $0x30, s3  }
0x7b: {  	[tilespmem:s21], [sflag:$0x4] =	stream.linear.gather [hbm4b:s3+s4], $0x80, $0x38;
	[tilespmem:$0x1D200] =	vst v63  }
0x7c: {  	s7 =	sadd.s32 $0x30, s6;
	s0 =	sadd.s32 $0x20, s0  }
0x7d: {  	[tilespmem:s22], [sflag:$0x4] =	stream.linear.gather [hbm4b:s7+s4], $0x80, $0x38;
	[tilespmem:$0x1D200] =	vst v63  }
.LBB2_7:
0x7e: {  	_ =	sfence.sel $0x180000  }
0x7f: {  	[bflag:$0x0] =	sbarrier.arrive $0xFFFF  }
0x80: {  	_ =	strace $0x9000004A  }
0x81: {  	s0 =	stileid.u32;
	[bflag:$0x2] =	sbarrier.arrive $0xFFFF  }
0x82: {  	p0 =	sne.s32 s0, $0x0;
	s0 =	rddreg [dreg:$0x3]  }
0x83: {  	s0 =	sadd.s32 @!p0 $0x100000, s0  }
0x84: {  	[sflag:s0] =	ssyncadd.tile.s32 @!p0 $0x1;
	_ =	shalt  }
.Lfunc_end2:
_tile_overlayer_lowered:
.L_overlay_start_2:
0x85: {  	(tag) =	ssettag $0x2  }
0x86: {  	s0 =	rddreg [dreg:$0x0];
	s2 =	stileid.u32  }
0x87: {  	s1 =	rddreg [dreg:$0x1];
	p0 =	sne.s32 s2, $0x0  }
0x88: {  	s3 =	rddreg [dreg:$0x2];
	[bflag:$0x3] =	sbarrier.arrive $0xFFFF;
	s2 =	simm.s32 @!p0 $0x1C05  }
0x89: {  	[timem:s3], [sflag:s2] =	dma.local @!p0 [hbm:s0], s1  }
0x8a: {  	s0 =	simm.s32 @!p0 $0x5  }
0x8b: {  	_ =	swait.ge @!p0 [sflag:s0], s1  }
0x8c: {  	s1 =	ssub.s32 @!p0 $0x0, s1;
	[sflag:s0] =	ssyncset.done @!p0 $0x0  }
0x8d: {  	[sflag:s0] =	ssyncadd.s32 @!p0 s1  }
0x8e: {  	[bflag:$0x3] =	sbarrier.arrive $0xFFFF  }
0x8f: {  	_ =	shalt  }

// kernel: kernel.15.cloned.1.call-start
scs
__scs_entry_jumppad:
0x0: {  	(pc) =	sbr.rel $0x88, $3  }
0x1: {  	(tag) =	ssettag $0x0;
	lr =	simm.s32 $0x1  }
0x2: {  	[smem:$0x3F9D] =	sst lr;
	_ =	strace $0xD0000000  }
0x3: {  	_ = 	snop  }
0x4: {  	_ = 	snop  }
0x5: {  	_ = 	snop  }
0x6: {  	_ = 	snop  }
0x7: {  	_ = 	snop  }
__scs_overlays_trampoline_lowered:
0x8: {  	[smem:$0x3FAC] =	sst s0  }
0x9: {  	[smem:$0x3FAD] =	sst s1  }
0xa: {  	[smem:$0x3FAE] =	sst s2  }
0xb: {  	[smem:$0x3FAF] =	sst s3  }
0xc: {  	[smem:$0x3FB0] =	sst s4  }
0xd: {  	[smem:$0x3FB1] =	sst s5  }
0xe: {  	[smem:$0x3FB2] =	sst s6  }
0xf: {  	[smem:$0x3FB3] =	sst s7  }
0x10: {  	[smem:$0x3FB4] =	sst s8  }
0x11: {  	[smem:$0x3FB5] =	sst s9;
	s0 =	simm.s32 @!p0 $0x0  }
0x12: {  	s1 =	sld [smem:$0x3F9B];
	s0 =	simm.s32 @p0 $0x1  }
0x13: {  	[smem:$0x3FB6] =	sst s0;
	s0 =	simm.s32 @!p1 $0x0  }
0x14: {  	s2 =	sld [smem:$0x3F9A];
	s0 =	simm.s32 @p1 $0x1  }
0x15: {  	[smem:$0x3FB7] =	sst s0;
	s0 =	simm.s32 @!p2 $0x0  }
0x16: {  	s3 =	sld [smem:$0x3FDB];
	s0 =	simm.s32 @p2 $0x1  }
0x17: {  	s4 =	simm.s32 $0x1BF5;
	[smem:$0x3FB9] =	sst s0  }
0x18: {  	s0 =	sld [smem:$0x3F9C];
	_ =	swait.ge [sflag:s4], $0x0  }
0x19: {  	s7 =	sld [smem:$0x3F9D]  }
0x1a: {  	s8 =	sadd.s32 $0xFFFFE003, lr  }
0x1b: {  	s9 =	sadd.s32 $0xFFFFFEF7, lr;
	s5 =	simm.s32 $0xFFFFFFFF;
	p2 =	slt.u32 s8, $0xFFFFF086  }
0x1c: {  	p1 =	slt.u32 s9, $0xF7A;
	s5 =	simm.s32 @!p2 $0x0  }
0x1d: {  	s5 =	simm.s32 @p1 $0x1;
	p0 =	seq.s32 s7, s2  }
0x1e: {  	s7 =	smul.u32 @!p0 $0xF7A, s2;
	p2 =	seq.s32 @!p0 s5, $0x0  }
0x1f: {  	s9 =	smul.u32 $0xF7A, s1;
	s8 =	simm.s32 @!p0 $0x1BF5;
	p2 =	por !p2, p0  }
0x20: {  	[sflag:s8] =	ssyncset.s32 @!p0 $0xFFFFF086;
	s6 =	sadd.s32 @!p0 s3, s7;
	s7 =	simm.s32 @!p0 $0x108  }
0x21: {  	s3 =	sadd.s32 s3, s9;
	s6 =	sadd.s32 @!p0 $0x88, s6;
	s7 =	simm.s32 @p2 $0x1082  }
0x22: {  	[simem:s7], [sflag:s8] =	dma.local @!p0 [hbm:s6], $0xF7A  }
0x23: {  	s9 =	sor.u32 $0xD0000000, s2;
	s6 =	simm.s32 $0x108;
	_ =	swait.ge @!p0 [sflag:s8], $0x0  }
0x24: {  	s3 =	sadd.s32 $0x88, s3;
	s6 =	simm.s32 @!p1 $0x1082;
	[sflag:s4] =	ssyncset.s32 $0xFFFFF086  }
0x25: {  	[simem:s6], [sflag:s4] =	dma.local [hbm:s3], $0xF7A  }
0x26: {  	[smem:$0x3F9D] =	sst s1;
	(tag) =	ssettag s2;
	_ =	strace s9  }
0x27: {  	s1 =	sld [smem:$0x3FAD]  }
0x28: {  	s2 =	sld [smem:$0x3FAE]  }
0x29: {  	s4 =	sld [smem:$0x3FB0]  }
0x2a: {  	p0 =	seq.s32 s5, $0x0;
	s5 =	sld [smem:$0x3FB1]  }
0x2b: {  	s6 =	sld [smem:$0x3FB2]  }
0x2c: {  	s7 =	sld [smem:$0x3FB3]  }
0x2d: {  	s3 =	simm.s32 $0x108;
	s8 =	sld [smem:$0x3FB4]  }
0x2e: {  	s3 =	simm.s32 @!p0 $0x1082;
	s9 =	sld [smem:$0x3FB5]  }
0x2f: {  	lr =	sadd.s32 s0, s3;
	s0 =	sld [smem:$0x3FAC]  }
0x30: {  	s3 =	sld [smem:$0x3FAF]  }
0x31: {  	[smem:$0x3FB8] =	sst s10  }
0x32: {  	s10 =	sld [smem:$0x3FB6];
	_ =	sdelay $0x3  }
0x33: {  	p0 =	seq.s32 s10, $0x1;
	s10 =	sld [smem:$0x3FB8];
	_ =	sdelay $0x3  }
0x34: {  	[smem:$0x3FB8] =	sst s10  }
0x35: {  	s10 =	sld [smem:$0x3FB7];
	_ =	sdelay $0x3  }
0x36: {  	p1 =	seq.s32 s10, $0x1;
	s10 =	sld [smem:$0x3FB8];
	_ =	sdelay $0x3  }
0x37: {  	[smem:$0x3FB8] =	sst s10  }
0x38: {  	s10 =	sld [smem:$0x3FB9]  }
0x39: {  	_ = 	snop;
	(pc) =	sbr.ind lr, $3  }
0x3a: {  	_ = 	snop  }
0x3b: {  	_ = 	snop  }
0x3c: {  	p2 =	seq.s32 s10, $0x1;
	s10 =	sld [smem:$0x3FB8]  }
0x3d: {  	_ =	shalt  }
0x3e: {  	_ =	shalt  }
0x3f: {  	_ =	shalt  }
0x40: {  	_ =	shalt  }
0x41: {  	_ =	shalt  }
0x42: {  	_ =	shalt  }
0x43: {  	_ =	shalt  }
0x44: {  	_ =	shalt  }
0x45: {  	_ =	shalt  }
0x46: {  	_ =	shalt  }
0x47: {  	_ =	shalt  }
0x48: {  	_ =	shalt  }
0x49: {  	_ =	shalt  }
0x4a: {  	_ =	shalt  }
0x4b: {  	_ =	shalt  }
0x4c: {  	_ =	shalt  }
0x4d: {  	_ =	shalt  }
0x4e: {  	_ =	shalt  }
0x4f: {  	_ =	shalt  }
0x50: {  	_ =	shalt  }
0x51: {  	_ =	shalt  }
0x52: {  	_ =	shalt  }
0x53: {  	_ =	shalt  }
0x54: {  	_ =	shalt  }
0x55: {  	_ =	shalt  }
0x56: {  	_ =	shalt  }
0x57: {  	_ =	shalt  }
0x58: {  	_ =	shalt  }
0x59: {  	_ =	shalt  }
0x5a: {  	_ =	shalt  }
0x5b: {  	_ =	shalt  }
0x5c: {  	_ =	shalt  }
0x5d: {  	_ =	shalt  }
0x5e: {  	_ =	shalt  }
0x5f: {  	_ =	shalt  }
0x60: {  	_ =	shalt  }
0x61: {  	_ =	shalt  }
0x62: {  	_ =	shalt  }
0x63: {  	_ =	shalt  }
0x64: {  	_ =	shalt  }
0x65: {  	_ =	shalt  }
0x66: {  	_ =	shalt  }
0x67: {  	_ =	shalt  }
0x68: {  	_ =	shalt  }
0x69: {  	_ =	shalt  }
0x6a: {  	_ =	shalt  }
0x6b: {  	_ =	shalt  }
0x6c: {  	_ =	shalt  }
0x6d: {  	_ =	shalt  }
0x6e: {  	_ =	shalt  }
0x6f: {  	_ =	shalt  }
0x70: {  	_ =	shalt  }
0x71: {  	_ =	shalt  }
0x72: {  	_ =	shalt  }
0x73: {  	_ =	shalt  }
0x74: {  	_ =	shalt  }
0x75: {  	_ =	shalt  }
0x76: {  	_ =	shalt  }
0x77: {  	_ =	shalt  }
0x78: {  	_ =	shalt  }
0x79: {  	_ =	shalt  }
0x7a: {  	_ =	shalt  }
0x7b: {  	_ =	shalt  }
0x7c: {  	_ =	shalt  }
0x7d: {  	_ =	shalt  }
0x7e: {  	_ =	shalt  }
0x7f: {  	_ =	shalt  }
0x80: {  	_ =	shalt  }
0x81: {  	_ =	shalt  }
0x82: {  	_ =	shalt  }
0x83: {  	_ =	shalt  }
0x84: {  	_ =	shalt  }
0x85: {  	_ =	shalt  }
0x86: {  	_ =	shalt  }
0x87: {  	_ =	shalt  }
.Lfunc_end0:
.L_simem_size_0:
called_computation.2_lowered:
.L_overlay_start_0:
0x88: {  	s2 =	sld [smem:$0x3FD9]  }
0x89: {  	s3 =	sld [smem:$0x3FFE];
	_ =	sdelay $0x1  }
0x8a: {  	s1 =	srdreg.scid  }
0x8b: {  	s0 =	sand.u32 $0x1, s1  }
0x8c: {  	s17 =	sshll.u32 s0, $0xA;
	s2 =	sadd.s32 s3, s2  }
0x8d: {  	s2 =	sadd.s32 s2, s17  }
0x8e: {  	[smem:$0x3FC4] =	sst s2  }
0x8f: {  	_ = 	snop  }
0x90: {  	s2 =	sld [smem:$0x3FD0];
	(tm) =	ssettm $0x1  }
0x91: {  	s18 =	sld [smem:$0x3FFB];
	_ =	sdelay $0x3  }
0x92: {  	_ =	strace s18  }
0x93: {  	s3 =	sld [smem:$0x3FFC];
	_ =	sdelay $0x3  }
0x94: {  	_ =	strace s3  }
0x95: {  	s3 =	sld [smem:$0x3FFD];
	_ =	sdelay $0x3  }
0x96: {  	_ =	strace s3  }
0x97: {  	_ =	strace $0x8FFFFFFF  }
0x98: {  	s19 =	sld [smem:$0x3FDB];
	_ =	sdelay $0x1  }
0x99: {  	s4 =	simm.s32 $_scs_section_size  }
0x9a: {  	s5 =	simm.s32 $_size__tile_overlayer_lowered;
	s6 =	simm.s32 $_tile_overlayer_lowered  }
0x9b: {  	s22 =	simm.s32 $0x1BFF;
	s21 =	sshll.u32 s6, $0x1;
	s3 =	sadd.s32 s4, s19  }
0x9c: {  	s7 =	simm.s32 $0x0;
	s20 =	sshll.u32 s5, $0x1;
	s5 =	sadd.s32 s21, s3  }
0x9d: {  	[timem:s7], [sflag:s22] =	dma.local [hbm:s5], s20  }
0x9e: {  	_ =	swait.ge [sflag:s22], s20  }
0x9f: {  	s4 =	ssub.s32 $0x0, s20;
	[sflag:s22] =	ssyncset.done $0x0  }
0xa0: {  	[sflag:s22] =	ssyncadd.s32 s4;
	_ =	sdelay $0x1  }
0xa1: {  	s23 =	simm.s32 $0x1B8B  }
0xa2: {  	_ =	swait.ge [sflag:s23], $0x1  }
0xa3: {  	[sflag:s23] =	ssyncset.done $0x0  }
0xa4: {  	s25 =	simm.s32 $0x1B8E;
	s24 =	sld [smem:$0x3FFE];
	[sflag:s23] =	ssyncadd.s32 $0xFFFFFFFF  }
0xa5: {  	s26 =	simm.s32 $execute0_lowered;
	[smem:$0x3FD2] =	sst s25  }
0xa6: {  	s5 =	sshll.u32 s26, $0x1;
	_ =	strace $0x8000004C;
	[dreg:$0x1] =	wrdreg $0xFFFFFFFF  }
0xa7: {  	s28 =	simm.s32 $_size_execute0_lowered;
	s3 =	sadd.s32 s3, s5;
	[dreg:$0x0] =	wrdreg $0x0  }
0xa8: {  	s5 =	sshll.u32 s28, $0x1;
	[dreg:$0x2] =	wrdreg s3  }
0xa9: {  	[dreg:$0x3] =	wrdreg s5  }
0xaa: {  	[dreg:$0x4] =	wrdreg $0xC0  }
0xab: {  	_ =	task [dreg:s7], $0x5FFFF  }
0xac: {  	[dreg:$0x1] =	wrdreg $0xFFFFFFFF  }
0xad: {  	[dreg:$0x0] =	wrdreg $0x60  }
0xae: {  	[dreg:$0x2] =	wrdreg s2  }
0xaf: {  	[dreg:$0x3] =	wrdreg s24  }
0xb0: {  	[dreg:$0x4] =	wrdreg $0x92000  }
0xb1: {  	[dreg:$0x5] =	wrdreg $0x9  }
0xb2: {  	_ =	task.clear_ibuf [dreg:s7], $0x6FFFF;
	_ =	strace $0x9000004C  }
0xb3: {  	s29 =	simm.s32 $0x9;
	_ =	strace $0x8000004E  }
0xb4: {  	_ =	swait.ge [sflag:s29], $0x1  }
0xb5: {  	[sflag:s29] =	ssyncadd.s32 $0xFFFFFFFF  }
0xb6: {  	_ =	strace $0x9000004E  }
0xb7: {  	_ =	sfence  }
0xb8: {  	s30 =	sld [smem:$0x0];
	_ =	sdelay $0x2  }
0xb9: {  	s31 =	sshll.u32 s1, $0xD;
	s1 =	sshrl.u32 s1, $0x2  }
0xba: {  	s3 =	sand.u32 $0x4000, s31;
	s1 =	sadd.s32 s1, s30  }
0xbb: {  	s0 =	sor.u32 s3, s0;
	s1 =	sshll.u32 s1, $0x11  }
0xbc: {  	s0 =	sor.u32 s1, s0  }
0xbd: {  	s0 =	sadd.s32 $0x8F2B, s0  }
0xbe: {  	[sflag:s0] =	ssyncadd.remote.s32 $0x1  }
0xbf: {  	_ =	sfence.sel $0xFFFF  }
0xc0: {  	[dreg:$0x0] =	wrdreg $0xFFFFFFFF;
	(pc) =	sbr.abs _section_cstart, $3  }
0xc1: {  	[dreg:$0x1] =	wrdreg $0xFFFFFFFF  }
0xc2: {  	_ =	task.clear_ibuf [dreg:s7], $0x2FFFF;
	_ =	strace $0x9FFFFFFF  }
0xc3: {  	(tm) =	ssettm $0x7FFFFFFF  }
tec
execute0_lowered:
.L_overlay_start_1:
0x0: {  	(tag) =	ssettag $0x1  }
0x1: {  	s1 =	rddreg [dreg:$0x0]  }
0x2: {  	s0 =	rddreg [dreg:$0x1]  }
0x3: {  	s2 =	rddreg [dreg:$0x2]  }
0x4: {  	s3 =	srdreg.scid;
	s4 =	simm.s32 $0x0;
	s13 =	stileid.u32  }
0x5: {  	s18 =	simm.s32 $0x5200;
	s19 =	simm.s32 $0x5;
	s20 =	simm.s32 $0x80  }
0x6: {  	s28 =	simm.s32 $0x4;
	s29 =	simm.s32 $0x2A00;
	s30 =	simm.s32 $0x2  }
0x7: {  	s31 =	simm.s32 $0x0;
	s3 =	sand.u32 $0x1, s3;
	s6 =	smul.u32 $0x14000, s13  }
0x8: {  	[smem:$0x7FF] =	sst s4;
	s16 =	sadd.s32 $0x1FA00, s0;
	s7 =	smul.u32 $0x50000, s13  }
0x9: {  	s17 =	sadd.s32 $0x2F400, s0;
	s21 =	sshll.u32 s13, $0x1;
	s25 =	smul.u32 $0xFA0, s13  }
0xa: {  	s5 =	smul.u32 $0x140000, s3;
	_ =	strace $0x8000004D;
	s22 =	ssub.s32 $0x2, s3  }
0xb: {  	s9 =	sshrl.u32 s22, $0x1;
	s7 =	sshrl.u32 s7, $0x2;
	s26 =	sadd.s32 s25, s16  }
0xc: {  	s5 =	sadd.s32 s6, s5;
	s6 =	sor.u32 s3, s21;
	s3 =	smul.u32 $0x7D0, s3  }
0xd: {  	s11 =	ssub.s32 s22, s9;
	s21 =	simm.s32 $0x100;
	s8 =	smul.u32 $0x3E80, s6  }
0xe: {  	s22 =	simm.s32 $0x180;
	s5 =	sshrl.u32 s5, $0x3;
	s6 =	smul.u32 $0x7D0, s6  }
0xf: {  	s11 =	smax.u32 s11, $0x1;
	s0 =	sadd.s32 s5, s0;
	s5 =	sadd.s32 s7, s2  }
0x10: {  	s8 =	sshrl.u32 s8, $0x3;
	s23 =	sadd.s32 s16, s6;
	s6 =	sadd.s32 s17, s6  }
0x11: {  	s10 =	sadd.s32 $0x3EE00, s0;
	s12 =	sadd.s32 $0x4000, s5;
	s13 =	sadd.s32 $0x8000, s5  }
.Ltmp0:
0x12: {  	s14 =	sadd.s32 $0xC000, s5;
	s15 =	sadd.s32 $0x10000, s5;
	(pc) =	sbr.rel .LBB2_1-.Ltmp0, $4  }
0x13: {  	s0 =	sadd.s32 s25, s17;
	s25 =	simm.s32 $0x200;
	[dreg:$0x4] =	wrdreg s23  }
0x14: {  	[dreg:$0x5] =	wrdreg s6;
	s24 =	sadd.s32 $0x10, s8;
	s23 =	simm.s32 $0x3  }
0x15: {  	s8 =	sadd.s32 s16, s24;
	s9 =	sadd.s32 s17, s24;
	s16 =	sadd.s32 s3, s26  }
0x16: {  	v0 =	vimm.f32 $0.0e+00;
	s17 =	sadd.s32 s3, s0;
	s24 =	simm.s32 $0x50;
	s26 =	simm.s32 $0x1  }
.LBB2_6:
0x17: {  	_ =	swait.ge [sflag:s26], $0x2800  }
0x18: {  	[sflag:s26] =	ssyncset.done $0x0  }
0x19: {  	[sflag:s26] =	ssyncadd.s32 $0xFFFFD800  }
0x1a: {  	[spmem:s2] =	stream.indirect.scatter.add.f32 [tilespmem:s25], [sflag:$0x5], $0x80, s20, s24, $0xb8;
	[tilespmem:$0x1D200] =	vst v63  }
0x1b: {  	s0 =	stileid.u32;
	_ =	swait.ge [sflag:s19], $0x2800  }
0x1c: {  	s3 =	sshrl.u32 s5, $0x3;
	s31 =	sadd.s32 $0x1, s31;
	[sflag:s19] =	ssyncset.done $0x0  }
0x1d: {  	s0 =	sshll.u32 s0, $0x6;
	p0 =	sne.s32 s31, s11;
	[sflag:s19] =	ssyncadd.s32 $0xFFFFD800  }
.Ltmp1:
0x1e: {  	s0 =	sor.u32 $0x1C05, s0;
	[bflag:$0x0] =	sbarrier.arrive $0xFFFF;
	(pc) =	sbr.rel @!p0 .LBB2_7-.Ltmp1, $4  }
0x1f: {  	[hbm:s10], [sflag:s0] =	dma.local [spmem:s3], $0x2800  }
0x20: {  	_ =	swait.ge [sflag:s19], $0x2800  }
0x21: {  	[sflag:s19] =	ssyncset.done $0x0  }
0x22: {  	[sflag:s19] =	ssyncadd.s32 $0xFFFFD800  }
.LBB2_1:
0x23: {  	s0 =	simm.s32 $0x0;
	s3 =	simm.s32 $0x200  }
.LBB2_2:
0x24: {  	p0 =	sne.s32 s3, $0xFE00;
	[tilespmem:s0+$0x5270] =	vst v0  }
0x25: {  	[tilespmem:s0+$0x5200] =	vst v0  }
0x26: {  	[tilespmem:s0+$0x5210] =	vst v0  }
.Ltmp2:
0x27: {  	[tilespmem:s0+$0x5220] =	vst v0;
	(pc) =	sbr.rel @p0 .LBB2_2-.Ltmp2, $4  }
0x28: {  	[tilespmem:s0+$0x5230] =	vst v0  }
0x29: {  	[tilespmem:s0+$0x5240] =	vst v0  }
0x2a: {  	[tilespmem:s0+$0x5250] =	vst v0  }
0x2b: {  	[tilespmem:s0+$0x5260] =	vst v0;
	s0 =	sshra.s32 s3, $0x2;
	s3 =	sadd.s32 $0x200, s3  }
0x2c: {  	[tilespmem:s0+$0x5270] =	vst v0  }
0x2d: {  	[tilespmem:s0+$0x5200] =	vst v0  }
0x2e: {  	[tilespmem:s0+$0x5210] =	vst v0  }
0x2f: {  	[tilespmem:s0+$0x5220] =	vst v0  }
0x30: {  	[tilespmem:s0+$0x5230] =	vst v0  }
0x31: {  	[tilespmem:s0+$0x5240] =	vst v0  }
0x32: {  	[tilespmem:s0+$0x5250] =	vst v0  }
0x33: {  	[tilespmem:s0+$0x5260] =	vst v0  }
0x34: {  	[spmem:s5] =	stream.linear.scatter [tilespmem:s18], [sflag:$0x5], $0x4000, $0x38;
	[tilespmem:$0x1D200] =	vst v63  }
0x35: {  	_ =	swait.ge [sflag:s19], $0x4000  }
0x36: {  	[sflag:s19] =	ssyncset.done $0x0  }
0x37: {  	[sflag:s19] =	ssyncadd.s32 $0xFFFFC000  }
0x38: {  	[spmem:s12] =	stream.linear.scatter [tilespmem:s18], [sflag:$0x5], $0x4000, $0x38;
	[tilespmem:$0x1D200] =	vst v63  }
0x39: {  	_ =	swait.ge [sflag:s19], $0x4000  }
0x3a: {  	[sflag:s19] =	ssyncset.done $0x0  }
0x3b: {  	[sflag:s19] =	ssyncadd.s32 $0xFFFFC000  }
0x3c: {  	[spmem:s13] =	stream.linear.scatter [tilespmem:s18], [sflag:$0x5], $0x4000, $0x38;
	[tilespmem:$0x1D200] =	vst v63  }
0x3d: {  	_ =	swait.ge [sflag:s19], $0x4000  }
0x3e: {  	[sflag:s19] =	ssyncset.done $0x0  }
0x3f: {  	[sflag:s19] =	ssyncadd.s32 $0xFFFFC000  }
0x40: {  	[spmem:s14] =	stream.linear.scatter [tilespmem:s18], [sflag:$0x5], $0x4000, $0x38;
	[tilespmem:$0x1D200] =	vst v63  }
0x41: {  	_ =	swait.ge [sflag:s19], $0x4000  }
0x42: {  	[sflag:s19] =	ssyncset.done $0x0  }
0x43: {  	[sflag:s19] =	ssyncadd.s32 $0xFFFFC000  }
0x44: {  	[spmem:s15] =	stream.linear.scatter [tilespmem:s18], [sflag:$0x5], $0x4000, $0x38;
	[tilespmem:$0x1D200] =	vst v63  }
0x45: {  	_ =	swait.ge [sflag:s19], $0x4000  }
0x46: {  	[sflag:s19] =	ssyncset.done $0x0  }
0x47: {  	s0 =	simm.s32 $0x0;
	s3 =	rddreg [dreg:$0x4];
	[sflag:s19] =	ssyncadd.s32 $0xFFFFC000  }
0x48: {  	[tilespmem:s0], [sflag:$0x3] =	stream.linear.gather [hbm4b:s3+s0], $0x80, $0x38;
	[tilespmem:$0x1D200] =	vst v63  }
0x49: {  	s7 =	rddreg [dreg:$0x5]  }
0x4a: {  	[tilespmem:s20], [sflag:$0x3] =	stream.linear.gather [hbm4b:s7+s0], $0x80, $0x38;
	[tilespmem:$0x1D200] =	vst v63  }
0x4b: {  	_ = 	snop  }
0x4c: {  	[tilespmem:s21], [sflag:$0x4] =	stream.linear.gather [hbm4b:s8+s0], $0x80, $0x38;
	[tilespmem:$0x1D200] =	vst v63  }
0x4d: {  	_ = 	snop  }
0x4e: {  	[tilespmem:s22], [sflag:$0x4] =	stream.linear.gather [hbm4b:s9+s0], $0x80, $0x38;
	[tilespmem:$0x1D200] =	vst v63  }
0x4f: {  	[bflag:$0x0] =	sbarrier.arrive $0xFFFF  }
0x50: {  	_ =	swait.ge [sflag:s23], $0x80  }
0x51: {  	[sflag:s23] =	ssyncset.done $0x0  }
0x52: {  	[sflag:s23] =	ssyncadd.s32 $0xFFFFFF80  }
0x53: {  	_ =	swait.ge [sflag:s23], $0x80  }
0x54: {  	[sflag:s23] =	ssyncset.done $0x0  }
0x55: {  	[sflag:s23] =	ssyncadd.s32 $0xFFFFFF80  }
0x56: {  	[tilespmem:s25], [sflag:$0x1] =	stream.indirect.gather [hbm4b:s1+s24], $0x80, s0, s24, $0xb8;
	[tilespmem:$0x1D200] =	vst v63  }
.LBB2_4:
0x57: {  	_ =	swait.ge [sflag:s26], $0x2800  }
0x58: {  	[sflag:s26] =	ssyncset.done $0x0  }
0x59: {  	[sflag:s26] =	ssyncadd.s32 $0xFFFFD800  }
0x5a: {  	_ =	swait.ge [sflag:s28], $0x80  }
0x5b: {  	[sflag:s28] =	ssyncset.done $0x0  }
0x5c: {  	[sflag:s28] =	ssyncadd.s32 $0xFFFFFF80  }
0x5d: {  	_ =	swait.ge [sflag:s28], $0x80  }
0x5e: {  	[sflag:s28] =	ssyncset.done $0x0  }
0x5f: {  	[sflag:s28] =	ssyncadd.s32 $0xFFFFFF80  }
0x60: {  	[tilespmem:s29], [sflag:$0x2] =	stream.indirect.gather [hbm4b:s1+s24], $0x80, s21, s24, $0xb8;
	[tilespmem:$0x1D200] =	vst v63  }
0x61: {  	_ = 	snop  }
0x62: {  	[spmem:s2] =	stream.indirect.scatter.add.f32 [tilespmem:s25], [sflag:$0x5], $0x80, s20, s24, $0xb8;
	[tilespmem:$0x1D200] =	vst v63  }
0x63: {  	_ =	swait.ge [sflag:s19], $0x2800  }
0x64: {  	s3 =	sadd.s32 s0, s16;
	[sflag:s19] =	ssyncset.done $0x0  }
0x65: {  	s6 =	sadd.s32 $0x20, s3;
	[sflag:s19] =	ssyncadd.s32 $0xFFFFD800  }
0x66: {  	[tilespmem:s4], [sflag:$0x3] =	stream.linear.gather [hbm4b:s6+s4], $0x80, $0x38;
	[tilespmem:$0x1D200] =	vst v63  }
0x67: {  	s6 =	sadd.s32 s0, s17  }
0x68: {  	s7 =	sadd.s32 $0x20, s6  }
0x69: {  	[tilespmem:s20], [sflag:$0x3] =	stream.linear.gather [hbm4b:s7+s4], $0x80, $0x38;
	[tilespmem:$0x1D200] =	vst v63  }
0x6a: {  	_ =	swait.ge [sflag:s30], $0x2800  }
0x6b: {  	[sflag:s30] =	ssyncset.done $0x0  }
0x6c: {  	[sflag:s30] =	ssyncadd.s32 $0xFFFFD800  }
0x6d: {  	_ =	swait.ge [sflag:s23], $0x80  }
0x6e: {  	[sflag:s23] =	ssyncset.done $0x0  }
0x6f: {  	[sflag:s23] =	ssyncadd.s32 $0xFFFFFF80  }
0x70: {  	_ =	swait.ge [sflag:s23], $0x80  }
0x71: {  	[sflag:s23] =	ssyncset.done $0x0  }
0x72: {  	p0 =	seq.s32 s0, $0x7A0;
	[sflag:s23] =	ssyncadd.s32 $0xFFFFFF80  }
0x73: {  	[tilespmem:s25], [sflag:$0x1] =	stream.indirect.gather [hbm4b:s1+s24], $0x80, s4, s24, $0xb8;
	[tilespmem:$0x1D200] =	vst v63  }
.Ltmp3:
0x74: {  	_ = 	snop;
	(pc) =	sbr.rel @p0 .LBB2_6-.Ltmp3, $4  }
0x75: {  	[spmem:s2] =	stream.indirect.scatter.add.f32 [tilespmem:s29], [sflag:$0x5], $0x80, s22, s24, $0xb8;
	[tilespmem:$0x1D200] =	vst v63  }
0x76: {  	_ =	swait.ge [sflag:s19], $0x2800  }
0x77: {  	[sflag:s19] =	ssyncset.done $0x0  }
0x78: {  	[sflag:s19] =	ssyncadd.s32 $0xFFFFD800  }
.Ltmp4:
0x79: {  	(pc) =	sbr.rel .LBB2_4-.Ltmp4, $4  }
0x7a: {  	s3 =	sadd.s32 $0x30, s3  }
0x7b: {  	[tilespmem:s21], [sflag:$0x4] =	stream.linear.gather [hbm4b:s3+s4], $0x80, $0x38;
	[tilespmem:$0x1D200] =	vst v63  }
0x7c: {  	s7 =	sadd.s32 $0x30, s6;
	s0 =	sadd.s32 $0x20, s0  }
0x7d: {  	[tilespmem:s22], [sflag:$0x4] =	stream.linear.gather [hbm4b:s7+s4], $0x80, $0x38;
	[tilespmem:$0x1D200] =	vst v63  }
.LBB2_7:
0x7e: {  	_ =	sfence.sel $0x180000  }
0x7f: {  	[bflag:$0x0] =	sbarrier.arrive $0xFFFF  }
0x80: {  	_ =	strace $0x9000004D  }
0x81: {  	s0 =	stileid.u32;
	[bflag:$0x2] =	sbarrier.arrive $0xFFFF  }
0x82: {  	p0 =	sne.s32 s0, $0x0;
	s0 =	rddreg [dreg:$0x3]  }
0x83: {  	s0 =	sadd.s32 @!p0 $0x100000, s0  }
0x84: {  	[sflag:s0] =	ssyncadd.tile.s32 @!p0 $0x1;
	_ =	shalt  }
.Lfunc_end2:
_tile_overlayer_lowered:
.L_overlay_start_2:
0x85: {  	(tag) =	ssettag $0x2  }
0x86: {  	s0 =	rddreg [dreg:$0x0];
	s2 =	stileid.u32  }
0x87: {  	s1 =	rddreg [dreg:$0x1];
	p0 =	sne.s32 s2, $0x0  }
0x88: {  	s3 =	rddreg [dreg:$0x2];
	[bflag:$0x3] =	sbarrier.arrive $0xFFFF;
	s2 =	simm.s32 @!p0 $0x1C05  }
0x89: {  	[timem:s3], [sflag:s2] =	dma.local @!p0 [hbm:s0], s1  }
0x8a: {  	s0 =	simm.s32 @!p0 $0x5  }
0x8b: {  	_ =	swait.ge @!p0 [sflag:s0], s1  }
0x8c: {  	s1 =	ssub.s32 @!p0 $0x0, s1;
	[sflag:s0] =	ssyncset.done @!p0 $0x0  }
0x8d: {  	[sflag:s0] =	ssyncadd.s32 @!p0 s1  }
0x8e: {  	[bflag:$0x3] =	sbarrier.arrive $0xFFFF  }
0x8f: {  	_ =	shalt  }

// kernel: kernel.9.cloned.1.call-start
scs
__scs_entry_jumppad:
0x0: {  	(pc) =	sbr.rel $0x88, $3  }
0x1: {  	(tag) =	ssettag $0x0;
	lr =	simm.s32 $0x1  }
0x2: {  	[smem:$0x3F9D] =	sst lr;
	_ =	strace $0xD0000000  }
0x3: {  	_ = 	snop  }
0x4: {  	_ = 	snop  }
0x5: {  	_ = 	snop  }
0x6: {  	_ = 	snop  }
0x7: {  	_ = 	snop  }
__scs_overlays_trampoline_lowered:
0x8: {  	[smem:$0x3FAC] =	sst s0  }
0x9: {  	[smem:$0x3FAD] =	sst s1  }
0xa: {  	[smem:$0x3FAE] =	sst s2  }
0xb: {  	[smem:$0x3FAF] =	sst s3  }
0xc: {  	[smem:$0x3FB0] =	sst s4  }
0xd: {  	[smem:$0x3FB1] =	sst s5  }
0xe: {  	[smem:$0x3FB2] =	sst s6  }
0xf: {  	[smem:$0x3FB3] =	sst s7  }
0x10: {  	[smem:$0x3FB4] =	sst s8  }
0x11: {  	[smem:$0x3FB5] =	sst s9;
	s0 =	simm.s32 @!p0 $0x0  }
0x12: {  	s1 =	sld [smem:$0x3F9B];
	s0 =	simm.s32 @p0 $0x1  }
0x13: {  	[smem:$0x3FB6] =	sst s0;
	s0 =	simm.s32 @!p1 $0x0  }
0x14: {  	s2 =	sld [smem:$0x3F9A];
	s0 =	simm.s32 @p1 $0x1  }
0x15: {  	[smem:$0x3FB7] =	sst s0;
	s0 =	simm.s32 @!p2 $0x0  }
0x16: {  	s3 =	sld [smem:$0x3FDB];
	s0 =	simm.s32 @p2 $0x1  }
0x17: {  	s4 =	simm.s32 $0x1BF5;
	[smem:$0x3FB9] =	sst s0  }
0x18: {  	s0 =	sld [smem:$0x3F9C];
	_ =	swait.ge [sflag:s4], $0x0  }
0x19: {  	s7 =	sld [smem:$0x3F9D]  }
0x1a: {  	s8 =	sadd.s32 $0xFFFFE003, lr  }
0x1b: {  	s9 =	sadd.s32 $0xFFFFFEF7, lr;
	s5 =	simm.s32 $0xFFFFFFFF;
	p2 =	slt.u32 s8, $0xFFFFF086  }
0x1c: {  	p1 =	slt.u32 s9, $0xF7A;
	s5 =	simm.s32 @!p2 $0x0  }
0x1d: {  	s5 =	simm.s32 @p1 $0x1;
	p0 =	seq.s32 s7, s2  }
0x1e: {  	s7 =	smul.u32 @!p0 $0xF7A, s2;
	p2 =	seq.s32 @!p0 s5, $0x0  }
0x1f: {  	s9 =	smul.u32 $0xF7A, s1;
	s8 =	simm.s32 @!p0 $0x1BF5;
	p2 =	por !p2, p0  }
0x20: {  	[sflag:s8] =	ssyncset.s32 @!p0 $0xFFFFF086;
	s6 =	sadd.s32 @!p0 s3, s7;
	s7 =	simm.s32 @!p0 $0x108  }
0x21: {  	s3 =	sadd.s32 s3, s9;
	s6 =	sadd.s32 @!p0 $0x88, s6;
	s7 =	simm.s32 @p2 $0x1082  }
0x22: {  	[simem:s7], [sflag:s8] =	dma.local @!p0 [hbm:s6], $0xF7A  }
0x23: {  	s9 =	sor.u32 $0xD0000000, s2;
	s6 =	simm.s32 $0x108;
	_ =	swait.ge @!p0 [sflag:s8], $0x0  }
0x24: {  	s3 =	sadd.s32 $0x88, s3;
	s6 =	simm.s32 @!p1 $0x1082;
	[sflag:s4] =	ssyncset.s32 $0xFFFFF086  }
0x25: {  	[simem:s6], [sflag:s4] =	dma.local [hbm:s3], $0xF7A  }
0x26: {  	[smem:$0x3F9D] =	sst s1;
	(tag) =	ssettag s2;
	_ =	strace s9  }
0x27: {  	s1 =	sld [smem:$0x3FAD]  }
0x28: {  	s2 =	sld [smem:$0x3FAE]  }
0x29: {  	s4 =	sld [smem:$0x3FB0]  }
0x2a: {  	p0 =	seq.s32 s5, $0x0;
	s5 =	sld [smem:$0x3FB1]  }
0x2b: {  	s6 =	sld [smem:$0x3FB2]  }
0x2c: {  	s7 =	sld [smem:$0x3FB3]  }
0x2d: {  	s3 =	simm.s32 $0x108;
	s8 =	sld [smem:$0x3FB4]  }
0x2e: {  	s3 =	simm.s32 @!p0 $0x1082;
	s9 =	sld [smem:$0x3FB5]  }
0x2f: {  	lr =	sadd.s32 s0, s3;
	s0 =	sld [smem:$0x3FAC]  }
0x30: {  	s3 =	sld [smem:$0x3FAF]  }
0x31: {  	[smem:$0x3FB8] =	sst s10  }
0x32: {  	s10 =	sld [smem:$0x3FB6];
	_ =	sdelay $0x3  }
0x33: {  	p0 =	seq.s32 s10, $0x1;
	s10 =	sld [smem:$0x3FB8];
	_ =	sdelay $0x3  }
0x34: {  	[smem:$0x3FB8] =	sst s10  }
0x35: {  	s10 =	sld [smem:$0x3FB7];
	_ =	sdelay $0x3  }
0x36: {  	p1 =	seq.s32 s10, $0x1;
	s10 =	sld [smem:$0x3FB8];
	_ =	sdelay $0x3  }
0x37: {  	[smem:$0x3FB8] =	sst s10  }
0x38: {  	s10 =	sld [smem:$0x3FB9]  }
0x39: {  	_ = 	snop;
	(pc) =	sbr.ind lr, $3  }
0x3a: {  	_ = 	snop  }
0x3b: {  	_ = 	snop  }
0x3c: {  	p2 =	seq.s32 s10, $0x1;
	s10 =	sld [smem:$0x3FB8]  }
0x3d: {  	_ =	shalt  }
0x3e: {  	_ =	shalt  }
0x3f: {  	_ =	shalt  }
0x40: {  	_ =	shalt  }
0x41: {  	_ =	shalt  }
0x42: {  	_ =	shalt  }
0x43: {  	_ =	shalt  }
0x44: {  	_ =	shalt  }
0x45: {  	_ =	shalt  }
0x46: {  	_ =	shalt  }
0x47: {  	_ =	shalt  }
0x48: {  	_ =	shalt  }
0x49: {  	_ =	shalt  }
0x4a: {  	_ =	shalt  }
0x4b: {  	_ =	shalt  }
0x4c: {  	_ =	shalt  }
0x4d: {  	_ =	shalt  }
0x4e: {  	_ =	shalt  }
0x4f: {  	_ =	shalt  }
0x50: {  	_ =	shalt  }
0x51: {  	_ =	shalt  }
0x52: {  	_ =	shalt  }
0x53: {  	_ =	shalt  }
0x54: {  	_ =	shalt  }
0x55: {  	_ =	shalt  }
0x56: {  	_ =	shalt  }
0x57: {  	_ =	shalt  }
0x58: {  	_ =	shalt  }
0x59: {  	_ =	shalt  }
0x5a: {  	_ =	shalt  }
0x5b: {  	_ =	shalt  }
0x5c: {  	_ =	shalt  }
0x5d: {  	_ =	shalt  }
0x5e: {  	_ =	shalt  }
0x5f: {  	_ =	shalt  }
0x60: {  	_ =	shalt  }
0x61: {  	_ =	shalt  }
0x62: {  	_ =	shalt  }
0x63: {  	_ =	shalt  }
0x64: {  	_ =	shalt  }
0x65: {  	_ =	shalt  }
0x66: {  	_ =	shalt  }
0x67: {  	_ =	shalt  }
0x68: {  	_ =	shalt  }
0x69: {  	_ =	shalt  }
0x6a: {  	_ =	shalt  }
0x6b: {  	_ =	shalt  }
0x6c: {  	_ =	shalt  }
0x6d: {  	_ =	shalt  }
0x6e: {  	_ =	shalt  }
0x6f: {  	_ =	shalt  }
0x70: {  	_ =	shalt  }
0x71: {  	_ =	shalt  }
0x72: {  	_ =	shalt  }
0x73: {  	_ =	shalt  }
0x74: {  	_ =	shalt  }
0x75: {  	_ =	shalt  }
0x76: {  	_ =	shalt  }
0x77: {  	_ =	shalt  }
0x78: {  	_ =	shalt  }
0x79: {  	_ =	shalt  }
0x7a: {  	_ =	shalt  }
0x7b: {  	_ =	shalt  }
0x7c: {  	_ =	shalt  }
0x7d: {  	_ =	shalt  }
0x7e: {  	_ =	shalt  }
0x7f: {  	_ =	shalt  }
0x80: {  	_ =	shalt  }
0x81: {  	_ =	shalt  }
0x82: {  	_ =	shalt  }
0x83: {  	_ =	shalt  }
0x84: {  	_ =	shalt  }
0x85: {  	_ =	shalt  }
0x86: {  	_ =	shalt  }
0x87: {  	_ =	shalt  }
.Lfunc_end0:
.L_simem_size_0:
called_computation_lowered:
.L_overlay_start_0:
0x88: {  	s2 =	sld [smem:$0x3FD9]  }
0x89: {  	s3 =	sld [smem:$0x3FFE];
	_ =	sdelay $0x1  }
0x8a: {  	s1 =	srdreg.scid  }
0x8b: {  	s0 =	sand.u32 $0x1, s1  }
0x8c: {  	s17 =	sshll.u32 s0, $0xA;
	s2 =	sadd.s32 s3, s2  }
0x8d: {  	s2 =	sadd.s32 s2, s17  }
0x8e: {  	[smem:$0x3FC4] =	sst s2  }
0x8f: {  	_ = 	snop  }
0x90: {  	s2 =	sld [smem:$0x3FD0];
	(tm) =	ssettm $0x1  }
0x91: {  	s18 =	sld [smem:$0x3FFB];
	_ =	sdelay $0x3  }
0x92: {  	_ =	strace s18  }
0x93: {  	s3 =	sld [smem:$0x3FFC];
	_ =	sdelay $0x3  }
0x94: {  	_ =	strace s3  }
0x95: {  	s3 =	sld [smem:$0x3FFD];
	_ =	sdelay $0x3  }
0x96: {  	_ =	strace s3  }
0x97: {  	_ =	strace $0x8FFFFFFF  }
0x98: {  	s19 =	sld [smem:$0x3FDB];
	_ =	sdelay $0x1  }
0x99: {  	s4 =	simm.s32 $_scs_section_size  }
0x9a: {  	s5 =	simm.s32 $_size__tile_overlayer_lowered;
	s6 =	simm.s32 $_tile_overlayer_lowered  }
0x9b: {  	s22 =	simm.s32 $0x1BFF;
	s21 =	sshll.u32 s6, $0x1;
	s3 =	sadd.s32 s4, s19  }
0x9c: {  	s7 =	simm.s32 $0x0;
	s20 =	sshll.u32 s5, $0x1;
	s5 =	sadd.s32 s21, s3  }
0x9d: {  	[timem:s7], [sflag:s22] =	dma.local [hbm:s5], s20  }
0x9e: {  	_ =	swait.ge [sflag:s22], s20  }
0x9f: {  	s4 =	ssub.s32 $0x0, s20;
	[sflag:s22] =	ssyncset.done $0x0  }
0xa0: {  	[sflag:s22] =	ssyncadd.s32 s4;
	_ =	sdelay $0x1  }
0xa1: {  	s23 =	simm.s32 $0x1B8B  }
0xa2: {  	_ =	swait.ge [sflag:s23], $0x1  }
0xa3: {  	[sflag:s23] =	ssyncset.done $0x0  }
0xa4: {  	s25 =	simm.s32 $0x1B8E;
	s24 =	sld [smem:$0x3FFE];
	[sflag:s23] =	ssyncadd.s32 $0xFFFFFFFF  }
0xa5: {  	s26 =	simm.s32 $execute0_lowered;
	[smem:$0x3FD2] =	sst s25  }
0xa6: {  	s5 =	sshll.u32 s26, $0x1;
	_ =	strace $0x80000046;
	[dreg:$0x1] =	wrdreg $0xFFFFFFFF  }
0xa7: {  	s28 =	simm.s32 $_size_execute0_lowered;
	s3 =	sadd.s32 s3, s5;
	[dreg:$0x0] =	wrdreg $0x0  }
0xa8: {  	s5 =	sshll.u32 s28, $0x1;
	[dreg:$0x2] =	wrdreg s3  }
0xa9: {  	[dreg:$0x3] =	wrdreg s5  }
0xaa: {  	[dreg:$0x4] =	wrdreg $0xC0  }
0xab: {  	_ =	task [dreg:s7], $0x5FFFF  }
0xac: {  	[dreg:$0x1] =	wrdreg $0xFFFFFFFF  }
0xad: {  	[dreg:$0x0] =	wrdreg $0x60  }
0xae: {  	[dreg:$0x2] =	wrdreg s2  }
0xaf: {  	[dreg:$0x3] =	wrdreg s24  }
0xb0: {  	[dreg:$0x4] =	wrdreg $0x9  }
0xb1: {  	_ =	task.clear_ibuf [dreg:s7], $0x5FFFF;
	_ =	strace $0x90000046  }
0xb2: {  	s29 =	simm.s32 $0x9;
	_ =	strace $0x80000048  }
0xb3: {  	_ =	swait.ge [sflag:s29], $0x1  }
0xb4: {  	[sflag:s29] =	ssyncadd.s32 $0xFFFFFFFF  }
0xb5: {  	_ =	strace $0x90000048  }
0xb6: {  	_ =	sfence  }
0xb7: {  	s30 =	sld [smem:$0x0];
	_ =	sdelay $0x2  }
0xb8: {  	s31 =	sshll.u32 s1, $0xD;
	s1 =	sshrl.u32 s1, $0x2  }
0xb9: {  	s3 =	sand.u32 $0x4000, s31;
	s1 =	sadd.s32 s1, s30  }
0xba: {  	s0 =	sor.u32 s3, s0;
	s1 =	sshll.u32 s1, $0x11  }
0xbb: {  	s0 =	sor.u32 s1, s0  }
0xbc: {  	s0 =	sadd.s32 $0x8F2B, s0  }
0xbd: {  	[sflag:s0] =	ssyncadd.remote.s32 $0x1  }
0xbe: {  	_ =	sfence.sel $0xFFFF  }
0xbf: {  	[dreg:$0x0] =	wrdreg $0xFFFFFFFF;
	(pc) =	sbr.abs _section_cstart, $3  }
0xc0: {  	[dreg:$0x1] =	wrdreg $0xFFFFFFFF  }
0xc1: {  	_ =	task.clear_ibuf [dreg:s7], $0x2FFFF;
	_ =	strace $0x9FFFFFFF  }
0xc2: {  	(tm) =	ssettm $0x7FFFFFFF  }
0xc3: {  	_ =	shalt  }
tec
execute0_lowered:
.L_overlay_start_1:
0x0: {  	(tag) =	ssettag $0x1  }
0x1: {  	s1 =	srdreg.scid  }
0x2: {  	s0 =	stileid.u32;
	s3 =	rddreg [dreg:$0x0]  }
0x3: {  	s5 =	rddreg [dreg:$0x1];
	s4 =	sand.u32 $0x1, s1;
	s30 =	sshll.u32 s0, $0x1  }
0x4: {  	s2 =	simm.s32 $0x0;
	s9 =	simm.s32 $0x2780;
	s6 =	sor.u32 s4, s30  }
0x5: {  	s1 =	rddreg [dreg:$0x2];
	s4 =	ssub.s32 $0x2, s4;
	s6 =	smul.u32 $0x4F0, s6  }
0x6: {  	s10 =	simm.s32 $0x0;
	[smem:$0x7FF] =	sst s2;
	s31 =	sshrl.u32 s4, $0x1  }
0x7: {  	_ =	strace $0x80000047;
	s8 =	ssub.s32 s4, s31;
	s7 =	sadd.s32 s6, s5  }
0x8: {  	s3 =	sadd.s32 s3, s6;
	s4 =	sadd.s32 $0xBE00, s7;
	s5 =	sadd.s32 $0x2000, s7  }
0x9: {  	v0 =	vimm.f32 $0.0e+00;
	v1 =	vimm.f32 $1.000000000e+00;
	s6 =	sadd.s32 $0x15C00, s7;
	s7 =	smax.u32 s8, $0x1;
	s8 =	simm.s32 $0x1  }
.LBB2_1:
0xa: {  	s11 =	simm.s32 $0x40;
	s12 =	simm.s32 $0x0  }
.LBB2_2:
0xb: {  	p0 =	sne.s32 s11, $0x9C00;
	[tilespmem:s12+$0x2780] =	vst v0;
	s12 =	smov.u32 s11;
	s11 =	sadd.s32 $0x40, s11  }
.Ltmp0:
0xc: {  	(pc) =	sbr.rel @p0 .LBB2_2-.Ltmp0, $2  }
0xd: {  	_ =	sdelay $0x2  }
0xe: {  	s12 =	sshra.s32 s12, $0x2  }
0xf: {  	[tilespmem:s12+$0x2780] =	vst v0;
	s11 =	simm.s32 $0x0  }
0x10: {  	[tilespmem:s11], [sflag:$0x1] =	stream.linear.gather [hbm4b:s3+s11], $0x2780, $0x38;
	[tilespmem:$0x4F00] =	vst v63  }
0x11: {  	_ =	swait.ge [sflag:s8], $0x2780  }
0x12: {  	[sflag:s8] =	ssyncset.done $0x0  }
0x13: {  	s12 =	simm.s32 $0x0;
	s11 =	simm.s32 $0x40;
	[sflag:s8] =	ssyncadd.s32 $0xFFFFD880  }
.LBB2_4:
0x14: {  	p0 =	sne.s32 s11, $0x9C00;
	v2 =	vld [tilespmem:s12+$0x0];
	_ =	sdelay $0x3  }
.Ltmp1:
0x15: {  	(pc) =	sbr.rel @p0 .LBB2_4-.Ltmp1, $2  }
0x16: {  	_ =	sdelay $0x2  }
0x17: {  	s12 =	sshra.s32 s11, $0x2;
	s11 =	sadd.s32 $0x40, s11;
	[tilespmem:v2+s9+$0x0] =	vst.idx.add.f32.msk $0xffff, v1  }
0x18: {  	v2 =	vld [tilespmem:s12+$0x0];
	_ =	sdelay $0x7  }
0x19: {  	s11 =	simm.s32 $0x0;
	[tilespmem:v2+s9+$0x0] =	vst.idx.add.f32.msk $0xffff, v1  }
0x1a: {  	[hbm4b:s4+s11] =	stream.linear.scatter [tilespmem:s9], [sflag:$0x1], $0x2780, $0x38;
	[tilespmem:$0x4F00] =	vst v63  }
0x1b: {  	_ =	swait.ge [sflag:s8], $0x2780  }
0x1c: {  	[sflag:s8] =	ssyncset.done $0x0  }
0x1d: {  	s12 =	simm.s32 $0x0;
	s11 =	simm.s32 $0x40;
	[sflag:s8] =	ssyncadd.s32 $0xFFFFD880  }
.LBB2_6:
0x1e: {  	p0 =	sne.s32 s11, $0x9C00;
	[tilespmem:s12+$0x2780] =	vst v0;
	s12 =	smov.u32 s11;
	s11 =	sadd.s32 $0x40, s11  }
.Ltmp2:
0x1f: {  	(pc) =	sbr.rel @p0 .LBB2_6-.Ltmp2, $2  }
0x20: {  	_ =	sdelay $0x2  }
0x21: {  	s12 =	sshra.s32 s12, $0x2  }
0x22: {  	[tilespmem:s12+$0x2780] =	vst v0;
	s11 =	simm.s32 $0x0  }
0x23: {  	[tilespmem:s11], [sflag:$0x1] =	stream.linear.gather [hbm4b:s5+s11], $0x2780, $0x38;
	[tilespmem:$0x4F00] =	vst v63  }
0x24: {  	_ =	swait.ge [sflag:s8], $0x2780  }
0x25: {  	[sflag:s8] =	ssyncset.done $0x0  }
0x26: {  	s12 =	simm.s32 $0x0;
	s11 =	simm.s32 $0x40;
	[sflag:s8] =	ssyncadd.s32 $0xFFFFD880  }
.LBB2_8:
0x27: {  	p0 =	sne.s32 s11, $0x9C00;
	v2 =	vld [tilespmem:s12+$0x0];
	_ =	sdelay $0x3  }
.Ltmp3:
0x28: {  	(pc) =	sbr.rel @p0 .LBB2_8-.Ltmp3, $2  }
0x29: {  	_ =	sdelay $0x2  }
0x2a: {  	s12 =	sshra.s32 s11, $0x2;
	s11 =	sadd.s32 $0x40, s11;
	[tilespmem:v2+s9+$0x0] =	vst.idx.add.f32.msk $0xffff, v1  }
0x2b: {  	v2 =	vld [tilespmem:s12+$0x0];
	_ =	sdelay $0x5  }
0x2c: {  	s10 =	sadd.s32 $0x1, s10  }
0x2d: {  	p0 =	sne.s32 s10, s7  }
.Ltmp4:
0x2e: {  	[tilespmem:v2+s9+$0x0] =	vst.idx.add.f32.msk $0xffff, v1;
	(pc) =	sbr.rel @p0 .LBB2_1-.Ltmp4, $4  }
0x2f: {  	[hbm4b:s6+s2] =	stream.linear.scatter [tilespmem:s9], [sflag:$0x1], $0x2780, $0x38;
	[tilespmem:$0x4F00] =	vst v63  }
0x30: {  	_ =	swait.ge [sflag:s8], $0x2780  }
0x31: {  	[sflag:s8] =	ssyncset.done $0x0  }
0x32: {  	[sflag:s8] =	ssyncadd.s32 $0xFFFFD880  }
0x33: {  	_ =	sfence.sel $0x180000  }
0x34: {  	[bflag:$0x0] =	sbarrier.arrive $0xFFFF  }
0x35: {  	p0 =	sne.s32 s0, $0x0;
	_ =	strace $0x90000047  }
0x36: {  	s0 =	sadd.s32 @!p0 $0x100000, s1;
	[bflag:$0x2] =	sbarrier.arrive $0xFFFF  }
0x37: {  	[sflag:s0] =	ssyncadd.tile.s32 @!p0 $0x1;
	_ =	shalt  }
.Lfunc_end2:
_tile_overlayer_lowered:
.L_overlay_start_2:
0x38: {  	(tag) =	ssettag $0x2  }
0x39: {  	s0 =	rddreg [dreg:$0x0];
	s2 =	stileid.u32  }
0x3a: {  	s1 =	rddreg [dreg:$0x1];
	p0 =	sne.s32 s2, $0x0  }
0x3b: {  	s3 =	rddreg [dreg:$0x2];
	[bflag:$0x3] =	sbarrier.arrive $0xFFFF;
	s2 =	simm.s32 @!p0 $0x1C01  }
0x3c: {  	[timem:s3], [sflag:s2] =	dma.local @!p0 [hbm:s0], s1  }
0x3d: {  	s0 =	simm.s32 @!p0 $0x1  }
0x3e: {  	_ =	swait.ge @!p0 [sflag:s0], s1  }
0x3f: {  	s1 =	ssub.s32 @!p0 $0x0, s1;
	[sflag:s0] =	ssyncset.done @!p0 $0x0  }
0x40: {  	[sflag:s0] =	ssyncadd.s32 @!p0 s1  }
0x41: {  	[bflag:$0x3] =	sbarrier.arrive $0xFFFF  }
0x42: {  	_ =	shalt  }

</sc_bundles>
